<compile_context>
chip_gen: v7x
topology: tpu7x:2x2x1
jax: 0.10.2.dev20260603
libtpu: 0.0.44.dev20260713+nightly
codegen_flags: <defaults>
</compile_context>

<pallas_src>
import functools

import jax
import jax.numpy as jnp
from jax import lax
from jax.experimental import pallas as pl
from jax.experimental.pallas import tpu as pltpu
from jax.experimental.pallas import tpu_sc as plsc

N = 10000
D = 128
NUM_PATH = 8
PATH_LEN = 4
NUM_EDGE_TYPES = 2
T = NUM_PATH * PATH_LEN

NW = 32
BPW = 320
NPAD = NW * BPW
NSUB = 4
CH = BPW // NSUB
NBUF = 4

_PERM = [0] * D
for _j in range(D // 32):
    for _i in range(16):
        _PERM[32 * _j + 2 * _i] = 32 * _j + _i
        _PERM[32 * _j + 2 * _i + 1] = 32 * _j + 16 + _i



_MM_BN = 5000
_MM_NB = N // _MM_BN


def _mm_body(x_ref, w_ref, o_ref):
    o_ref[...] = lax.dot_general(
        x_ref[...], w_ref[...],
        dimension_numbers=(((1,), (1,)), ((), ())),
        preferred_element_type=jnp.float32,
    ).astype(jnp.bfloat16)


def _project(feats, w):
    return pl.pallas_call(
        _mm_body,
        grid=(NUM_EDGE_TYPES, _MM_NB),
        in_specs=[
            pl.BlockSpec((_MM_BN, D), lambda e, i: (i, 0)),
            pl.BlockSpec((D, D), lambda e, i: (0, e)),
        ],
        out_specs=pl.BlockSpec((_MM_BN, D), lambda e, i: (e * _MM_NB + i, 0)),
        out_shape=jax.ShapeDtypeStruct((NUM_EDGE_TYPES * N, D), jnp.bfloat16),
    )(feats, w)



_SC_MESH = plsc.VectorSubcoreMesh(core_axis_name="c", subcore_axis_name="s")


@functools.partial(
    pl.kernel,
    mesh=_SC_MESH,
    compiler_params=pltpu.CompilerParams(
        use_tc_tiling_on_sc=False, needs_layout_passes=False),
    out_type=jax.ShapeDtypeStruct((N, D), jnp.float32),
    scratch_types=[
        pltpu.VMEM((T, BPW), jnp.int32),
        pltpu.VMEM((T + 1, 16), jnp.float32),
        [pltpu.VMEM((CH, D), jnp.bfloat16)] * NBUF,
        pltpu.VMEM((CH, D), jnp.float32),
        [pltpu.SemaphoreType.DMA] * NBUF,
    ],
)
def _sc_gather_reduce(g_hbm, idx_hbm, aux_hbm, out_hbm,
                      idx_v, aux_v, bufs, acc_v, sems):
    wid = lax.axis_index("s") * 2 + lax.axis_index("c")
    base = wid * BPW
    pltpu.sync_copy(aux_hbm, aux_v)
    pltpu.sync_copy(idx_hbm.at[wid], idx_v)

    NK = NSUB * T

    def start(k, b):
        s = k // T
        t = k % T
        pltpu.async_copy(
            g_hbm.at[idx_v.at[t, pl.ds(s * CH, CH)]], bufs[b], sems[b])

    for b in range(NBUF):
        start(b, b)

    def group(g, _):
        for b in range(NBUF):
            k = g * NBUF + b
            s = k // T
            t = k % T
            pltpu.make_async_copy(
                g_hbm.at[idx_v.at[0, pl.ds(0, CH)]], bufs[b], sems[b]).wait()

            c_vec = aux_v[t]
            is_first = t == 0
            buf_v = bufs[b]

            def acc_body(n, _, c_vec=c_vec, buf_v=buf_v, is_first=is_first):
                for j in range(D // 32):
                    v = buf_v[n, pl.ds(j * 32, 32)]
                    va, vb = plsc.unpack(v, format=plsc.PackFormat.INTERLEAVED)
                    for half, x in ((0, va), (16, vb)):
                        sl = pl.ds(j * 32 + half, 16)
                        acc_v[n, sl] = jnp.where(
                            is_first, c_vec * x, acc_v[n, sl] + c_vec * x)
                return 0

            lax.fori_loop(0, CH, acc_body, 0)

            @pl.when(k + NBUF < NK)
            def _():
                start(k + NBUF, b)

            @pl.when(t == T - 1)
            def _():
                p_vec = aux_v[T]

                def relu_body(n, _, p_vec=p_vec):
                    for j in range(D // 16):
                        a = acc_v[n, pl.ds(j * 16, 16)]
                        acc_v[n, pl.ds(j * 16, 16)] = (
                            jnp.maximum(a, 0.0) + p_vec)
                    return 0

                lax.fori_loop(0, CH, relu_body, 0)
                row0 = base + s * CH
                @pl.when(row0 < N)
                def _():
                    pltpu.sync_copy(acc_v, out_hbm.at[pl.ds(row0, CH)])
        return 0

    lax.fori_loop(0, NK // NBUF, group, 0)



def kernel(feats, paths, path_types, path_weights, W):
    g = _project(feats, W[jnp.array(_PERM), :])

    cnt = jnp.sum(
        (path_types[:, None] == jnp.arange(NUM_EDGE_TYPES)[None, :]
         ).astype(jnp.float32), axis=0)
    poison = 0.0 / cnt[0] + 0.0 / cnt[1]
    c = path_weights[path_types, :, 0] / cnt[path_types][:, None]
    aux = jnp.concatenate([c.reshape(T), poison[None]])
    aux = jnp.broadcast_to(aux[:, None], (T + 1, 16)).astype(jnp.float32)

    gidx = (paths + (path_types * N).astype(jnp.int32)[:, None, None])
    gidx = gidx.transpose(0, 2, 1).reshape(T, N)
    gidx = jnp.pad(gidx, ((0, 0), (0, NPAD - N)))
    gidx = gidx.reshape(T, NW, BPW).transpose(1, 0, 2)

    return _sc_gather_reduce(g, gidx, aux)

# --- scband reference (transcript-rebuilt; emitter-appended) ---
"""Pipeline reference for scband-impeller-layer-14499809591535 (READ-ONLY COPY).

The authoritative reference and input builder live on the scoring server;
editing this copy changes nothing except your own understanding.
"""

import jax, jax.numpy as jnp
import numpy as np

N_NODES = 10000
D = 128
NUM_PATH = 8
PATH_LEN = 4
NUM_EDGE_TYPES = 2


def setup_inputs(seed: int = 0) -> dict:
    key = jax.random.key(seed)
    k1, k2, k3, k4, k5 = jax.random.split(key, 5)
    feats = jax.random.normal(k1, (N_NODES, D), dtype=jnp.float32)
    paths = jax.random.randint(k2, (NUM_PATH, N_NODES, PATH_LEN), 0, N_NODES, dtype=jnp.int32)
    path_types = jax.random.randint(k3, (NUM_PATH,), 0, NUM_EDGE_TYPES, dtype=jnp.int32)
    path_weights = jax.random.uniform(k4, (NUM_EDGE_TYPES, PATH_LEN, 1), dtype=jnp.float32)
    # nn.Linear(num_edge_types*hidden_dim, hidden_dim, bias=False) with xavier_normal_(gain=1.414)
    fan_in = NUM_EDGE_TYPES * D
    fan_out = D
    std = 1.414 * np.sqrt(2.0 / (fan_in + fan_out))
    W = jax.random.normal(k5, (fan_out, fan_in), dtype=jnp.float32) * std
    return {"feats": feats, "paths": paths, "path_types": path_types, "path_weights": path_weights, "W": W}


def reference(feats, paths, path_types, path_weights, W):
    all_path_feats = feats[paths]              # (NUM_PATH, N, L, d) gather
    results = []
    for edge_type in range(NUM_EDGE_TYPES):
        path_weight = path_weights[edge_type]  # (path_length, 1)
        mask = (path_types == edge_type).astype(jnp.float32)  # (NUM_PATH,)
        path_feats = (all_path_feats * path_weight).sum(axis=2)  # (NUM_PATH, N, d)
        path_feats = (path_feats * mask[:, None, None]).sum(axis=0) / mask.sum()  # (N, d)
        results.append(path_feats)
    fout = jnp.hstack((results[0], results[1]))  # (N, 2d)
    fout = fout @ W.T                            # (N, d)
    return jax.nn.relu(fout)

if __name__ == "__main__":
    import jax
    _d = setup_inputs()
    print(jax.jit(kernel)(*tuple(_d.values())))

</pallas_src>

<mosaic_0001>
#map = affine_map<(d0, d1) -> (0, 0)>
#map1 = affine_map<(d0, d1) -> (0, 0, 0)>
module attributes {stable_mosaic.version = 14 : i64} {
  func.func @_sc_gather_reduce(%arg0: i32, %arg1: i32, %arg2: memref<20000x128xbf16, #tpu.memory_space<hbm>>, %arg3: memref<32x32x320xi32, #tpu.memory_space<hbm>>, %arg4: memref<33x16xf32, #tpu.memory_space<hbm>>, %arg5: memref<10000x128xf32, #tpu.memory_space<hbm>>, %arg6: memref<32x320xi32, #tpu.memory_space<vmem>>, %arg7: memref<33x16xf32, #tpu.memory_space<vmem>>, %arg8: memref<80x128xbf16, #tpu.memory_space<vmem>>, %arg9: memref<80x128xbf16, #tpu.memory_space<vmem>>, %arg10: memref<80x128xbf16, #tpu.memory_space<vmem>>, %arg11: memref<80x128xbf16, #tpu.memory_space<vmem>>, %arg12: memref<80x128xf32, #tpu.memory_space<vmem>>, %arg13: memref<!tpu.dma_semaphore, #tpu.memory_space<semaphore_mem>>, %arg14: memref<!tpu.dma_semaphore, #tpu.memory_space<semaphore_mem>>, %arg15: memref<!tpu.dma_semaphore, #tpu.memory_space<semaphore_mem>>, %arg16: memref<!tpu.dma_semaphore, #tpu.memory_space<semaphore_mem>>) attributes {dimension_semantics = [#tpu.dimension_semantics<core_parallel>, #tpu.dimension_semantics<subcore_parallel>], iteration_bounds = array<i64: 2, 16>, scalar_prefetch = 0 : i64, scratch_operands = 11 : i64, tpu.core_type = #tpu.core_type<sc_vector_subcore>, window_params = [{transform_indices = #map}, {transform_indices = #map1}, {transform_indices = #map}, {transform_indices = #map}]} {
    %mul3A = arith.constant 2 : i32
    %mul3A_0 = arith.muli %arg1, %mul3A : i32
    %add3A = arith.addi %mul3A_0, %arg0 : i32
    %mul3A_1 = arith.constant 320 : i32
    %mul3A_2 = arith.muli %add3A, %mul3A_1 : i32
    "tpu.region"() ({
      %run_scoped3A = tpu.sem_alloc : memref<!tpu.dma_semaphore, #tpu.memory_space<semaphore_mem>>
      tpu.enqueue_dma source(%arg4 : memref<33x16xf32, #tpu.memory_space<hbm>>) target(%arg7 : memref<33x16xf32, #tpu.memory_space<vmem>>) target_semaphore(%run_scoped3A : memref<!tpu.dma_semaphore, #tpu.memory_space<semaphore_mem>>)
      tpu.wait_dma2 semaphore(%run_scoped3A : memref<!tpu.dma_semaphore, #tpu.memory_space<semaphore_mem>>) src(%arg4 : memref<33x16xf32, #tpu.memory_space<hbm>>) dst(%arg7 : memref<33x16xf32, #tpu.memory_space<vmem>>)
      tpu.yield
    }) : () -> ()
    "tpu.region"() ({
      %run_scoped3A = tpu.sem_alloc : memref<!tpu.dma_semaphore, #tpu.memory_space<semaphore_mem>>
      %dma_start3A_36 = arith.constant 0 : i32
      %dma_start3A_37 = arith.constant 0 : i32
      %dma_start3A_38 = tpu.memref_slice %arg3[%add3A, %dma_start3A_36, %dma_start3A_37] : memref<32x32x320xi32, #tpu.memory_space<hbm>> -> memref<1x32x320xi32, #tpu.memory_space<hbm>>
      %dma_start3A_39 = tpu.memref_squeeze %dma_start3A_38 : memref<1x32x320xi32, #tpu.memory_space<hbm>> -> memref<32x320xi32, #tpu.memory_space<hbm>>
      %dma_start3A_40 = arith.constant 0 : i32
      %dma_start3A_41 = arith.constant 0 : i32
      %dma_start3A_42 = tpu.memref_slice %arg3[%add3A, %dma_start3A_40, %dma_start3A_41] : memref<32x32x320xi32, #tpu.memory_space<hbm>> -> memref<1x32x320xi32, #tpu.memory_space<hbm>>
      %dma_start3A_43 = tpu.memref_squeeze %dma_start3A_42 : memref<1x32x320xi32, #tpu.memory_space<hbm>> -> memref<32x320xi32, #tpu.memory_space<hbm>>
      tpu.enqueue_dma source(%dma_start3A_43 : memref<32x320xi32, #tpu.memory_space<hbm>>) target(%arg6 : memref<32x320xi32, #tpu.memory_space<vmem>>) target_semaphore(%run_scoped3A : memref<!tpu.dma_semaphore, #tpu.memory_space<semaphore_mem>>)
      %dma_wait3A = arith.constant 0 : i32
      %dma_wait3A_44 = arith.constant 0 : i32
      %dma_wait3A_45 = tpu.memref_slice %arg3[%add3A, %dma_wait3A, %dma_wait3A_44] : memref<32x32x320xi32, #tpu.memory_space<hbm>> -> memref<1x32x320xi32, #tpu.memory_space<hbm>>
      %dma_wait3A_46 = tpu.memref_squeeze %dma_wait3A_45 : memref<1x32x320xi32, #tpu.memory_space<hbm>> -> memref<32x320xi32, #tpu.memory_space<hbm>>
      %dma_wait3A_47 = arith.constant 0 : i32
      %dma_wait3A_48 = arith.constant 0 : i32
      %dma_wait3A_49 = tpu.memref_slice %arg3[%add3A, %dma_wait3A_47, %dma_wait3A_48] : memref<32x32x320xi32, #tpu.memory_space<hbm>> -> memref<1x32x320xi32, #tpu.memory_space<hbm>>
      %dma_wait3A_50 = tpu.memref_squeeze %dma_wait3A_49 : memref<1x32x320xi32, #tpu.memory_space<hbm>> -> memref<32x320xi32, #tpu.memory_space<hbm>>
      tpu.wait_dma2 semaphore(%run_scoped3A : memref<!tpu.dma_semaphore, #tpu.memory_space<semaphore_mem>>) src(%dma_wait3A_50 : memref<32x320xi32, #tpu.memory_space<hbm>>) dst(%arg6 : memref<32x320xi32, #tpu.memory_space<vmem>>)
      tpu.yield
    }) : () -> ()
    %dma_start3A = arith.constant 0 : i32
    %dma_start3A_3 = arith.constant 0 : i32
    %dma_start3A_4 = tpu.memref_slice %arg6[%dma_start3A, %dma_start3A_3] : memref<32x320xi32, #tpu.memory_space<vmem>> -> memref<1x80xi32, #tpu.memory_space<vmem>>
    %dma_start3A_5 = tpu.memref_squeeze %dma_start3A_4 : memref<1x80xi32, #tpu.memory_space<vmem>> -> memref<80xi32, #tpu.memory_space<vmem>>
    %dma_start3A_6 = arith.constant 0 : i32
    %dma_start3A_7 = arith.constant 0 : i32
    %dma_start3A_8 = tpu.memref_slice %arg2[%dma_start3A_6, %dma_start3A_7] : memref<20000x128xbf16, #tpu.memory_space<hbm>> -> memref<20000x128xbf16, #tpu.memory_space<hbm>>
    tpu.enqueue_indirect_dma source(%dma_start3A_8 : memref<20000x128xbf16, #tpu.memory_space<hbm>>) target(%arg8 : memref<80x128xbf16, #tpu.memory_space<vmem>>) offsets(%dma_start3A_5 : memref<80xi32, #tpu.memory_space<vmem>>) semaphore(%arg13 : memref<!tpu.dma_semaphore, #tpu.memory_space<semaphore_mem>>)
    %dma_start3A_9 = arith.constant 1 : i32
    %dma_start3A_10 = arith.constant 0 : i32
    %dma_start3A_11 = tpu.memref_slice %arg6[%dma_start3A_9, %dma_start3A_10] : memref<32x320xi32, #tpu.memory_space<vmem>> -> memref<1x80xi32, #tpu.memory_space<vmem>>
    %dma_start3A_12 = tpu.memref_squeeze %dma_start3A_11 : memref<1x80xi32, #tpu.memory_space<vmem>> -> memref<80xi32, #tpu.memory_space<vmem>>
    %dma_start3A_13 = arith.constant 0 : i32
    %dma_start3A_14 = arith.constant 0 : i32
    %dma_start3A_15 = tpu.memref_slice %arg2[%dma_start3A_13, %dma_start3A_14] : memref<20000x128xbf16, #tpu.memory_space<hbm>> -> memref<20000x128xbf16, #tpu.memory_space<hbm>>
    tpu.enqueue_indirect_dma source(%dma_start3A_15 : memref<20000x128xbf16, #tpu.memory_space<hbm>>) target(%arg9 : memref<80x128xbf16, #tpu.memory_space<vmem>>) offsets(%dma_start3A_12 : memref<80xi32, #tpu.memory_space<vmem>>) semaphore(%arg14 : memref<!tpu.dma_semaphore, #tpu.memory_space<semaphore_mem>>)
    %dma_start3A_16 = arith.constant 2 : i32
    %dma_start3A_17 = arith.constant 0 : i32
    %dma_start3A_18 = tpu.memref_slice %arg6[%dma_start3A_16, %dma_start3A_17] : memref<32x320xi32, #tpu.memory_space<vmem>> -> memref<1x80xi32, #tpu.memory_space<vmem>>
    %dma_start3A_19 = tpu.memref_squeeze %dma_start3A_18 : memref<1x80xi32, #tpu.memory_space<vmem>> -> memref<80xi32, #tpu.memory_space<vmem>>
    %dma_start3A_20 = arith.constant 0 : i32
    %dma_start3A_21 = arith.constant 0 : i32
    %dma_start3A_22 = tpu.memref_slice %arg2[%dma_start3A_20, %dma_start3A_21] : memref<20000x128xbf16, #tpu.memory_space<hbm>> -> memref<20000x128xbf16, #tpu.memory_space<hbm>>
    tpu.enqueue_indirect_dma source(%dma_start3A_22 : memref<20000x128xbf16, #tpu.memory_space<hbm>>) target(%arg10 : memref<80x128xbf16, #tpu.memory_space<vmem>>) offsets(%dma_start3A_19 : memref<80xi32, #tpu.memory_space<vmem>>) semaphore(%arg15 : memref<!tpu.dma_semaphore, #tpu.memory_space<semaphore_mem>>)
    %dma_start3A_23 = arith.constant 3 : i32
    %dma_start3A_24 = arith.constant 0 : i32
    %dma_start3A_25 = tpu.memref_slice %arg6[%dma_start3A_23, %dma_start3A_24] : memref<32x320xi32, #tpu.memory_space<vmem>> -> memref<1x80xi32, #tpu.memory_space<vmem>>
    %dma_start3A_26 = tpu.memref_squeeze %dma_start3A_25 : memref<1x80xi32, #tpu.memory_space<vmem>> -> memref<80xi32, #tpu.memory_space<vmem>>
    %dma_start3A_27 = arith.constant 0 : i32
    %dma_start3A_28 = arith.constant 0 : i32
    %dma_start3A_29 = tpu.memref_slice %arg2[%dma_start3A_27, %dma_start3A_28] : memref<20000x128xbf16, #tpu.memory_space<hbm>> -> memref<20000x128xbf16, #tpu.memory_space<hbm>>
    tpu.enqueue_indirect_dma source(%dma_start3A_29 : memref<20000x128xbf16, #tpu.memory_space<hbm>>) target(%arg11 : memref<80x128xbf16, #tpu.memory_space<vmem>>) offsets(%dma_start3A_26 : memref<80xi32, #tpu.memory_space<vmem>>) semaphore(%arg16 : memref<!tpu.dma_semaphore, #tpu.memory_space<semaphore_mem>>)
    %scan3A = arith.constant 0 : i32
    %scan3A_30 = arith.constant 0 : i32
    %scan3A_31 = arith.constant 32 : i32
    %scan3A_32 = arith.addi %scan3A_30, %scan3A_31 : i32
    %scan3A_33 = arith.constant 1 : i32
    %scan3A_34 = scf.for %scan3A_36 = %scan3A_30 to %scan3A_32 step %scan3A_33 iter_args(%scan3A_37 = %scan3A) -> (i32)  : i32 {
      %mul3A_38 = arith.constant 4 : i32
      %mul3A_39 = arith.muli %scan3A_36, %mul3A_38 : i32
      %add3A_40 = arith.constant 0 : i32
      %add3A_41 = arith.addi %mul3A_39, %add3A_40 : i32
      %jit3A = arith.constant 32 : i32
      %div3A = arith.divsi %add3A_41, %jit3A : i32
      %sign3A = arith.constant 0 : i32
      %sign3A_42 = arith.cmpi sgt, %add3A_41, %sign3A : i32
      %sign3A_43 = arith.extui %sign3A_42 : i1 to i32
      %sign3A_44 = arith.constant 0 : i32
      %sign3A_45 = arith.cmpi slt, %add3A_41, %sign3A_44 : i32
      %sign3A_46 = arith.extui %sign3A_45 : i1 to i32
      %sign3A_47 = arith.subi %sign3A_43, %sign3A_46 : i32
      %sign3A_48 = arith.constant 0 : i32
      %sign3A_49 = arith.cmpi sgt, %jit3A, %sign3A_48 : i32
      %sign3A_50 = arith.extui %sign3A_49 : i1 to i32
      %sign3A_51 = arith.constant 0 : i32
      %sign3A_52 = arith.cmpi slt, %jit3A, %sign3A_51 : i32
      %sign3A_53 = arith.extui %sign3A_52 : i1 to i32
      %sign3A_54 = arith.subi %sign3A_50, %sign3A_53 : i32
      %ne3A = arith.cmpi ne, %sign3A_47, %sign3A_54 : i32
      %rem3A = arith.remsi %add3A_41, %jit3A : i32
      %ne3A_55 = arith.constant 0 : i32
      %ne3A_56 = arith.cmpi ne, %rem3A, %ne3A_55 : i32
      %and3A = arith.andi %ne3A, %ne3A_56 : i1
      %sub3A = arith.constant 1 : i32
      %sub3A_57 = arith.subi %div3A, %sub3A : i32
      %select_n3A = arith.select %and3A, %sub3A_57, %div3A : i32
      %jit3A_58 = arith.constant 32 : i32
      %eq3A = arith.constant 0 : i32
      %eq3A_59 = arith.cmpi eq, %jit3A_58, %eq3A : i32
      %jit3A_60 = arith.constant 1 : i32
      %select_n3A_61 = arith.select %eq3A_59, %jit3A_60, %jit3A_58 : i32
      %rem3A_62 = arith.remsi %add3A_41, %select_n3A_61 : i32
      %ne3A_63 = arith.constant 0 : i32
      %ne3A_64 = arith.cmpi ne, %rem3A_62, %ne3A_63 : i32
      %lt3A = arith.constant 0 : i32
      %lt3A_65 = arith.cmpi slt, %rem3A_62, %lt3A : i32
      %lt3A_66 = arith.constant 0 : i32
      %lt3A_67 = arith.cmpi slt, %select_n3A_61, %lt3A_66 : i32
      %ne3A_68 = arith.xori %lt3A_65, %lt3A_67 : i1
      %and3A_69 = arith.andi %ne3A_68, %ne3A_64 : i1
      %add3A_70 = arith.addi %rem3A_62, %select_n3A_61 : i32
      %select_n3A_71 = arith.select %and3A_69, %add3A_70, %rem3A_62 : i32
      %dma_wait3A = arith.constant 0 : i32
      %dma_wait3A_72 = arith.constant 0 : i32
      %dma_wait3A_73 = tpu.memref_slice %arg6[%dma_wait3A, %dma_wait3A_72] : memref<32x320xi32, #tpu.memory_space<vmem>> -> memref<1x80xi32, #tpu.memory_space<vmem>>
      %dma_wait3A_74 = tpu.memref_squeeze %dma_wait3A_73 : memref<1x80xi32, #tpu.memory_space<vmem>> -> memref<80xi32, #tpu.memory_space<vmem>>
      %dma_wait3A_75 = arith.constant 0 : i32
      %dma_wait3A_76 = arith.constant 0 : i32
      %dma_wait3A_77 = tpu.memref_slice %arg2[%dma_wait3A_75, %dma_wait3A_76] : memref<20000x128xbf16, #tpu.memory_space<hbm>> -> memref<20000x128xbf16, #tpu.memory_space<hbm>>
      tpu.wait_indirect_dma semaphore(%arg13 : memref<!tpu.dma_semaphore, #tpu.memory_space<semaphore_mem>>) src(%dma_wait3A_77 : memref<20000x128xbf16, #tpu.memory_space<hbm>>) dst(%arg8 : memref<80x128xbf16, #tpu.memory_space<vmem>>)
      %get3A = arith.index_cast %select_n3A_71 : i32 to index
      %get3A_78 = arith.constant 0 : index
      %get3A_79 = tpu.vector_load %arg7[%get3A, %get3A_78] {strides = array<i32>} : memref<33x16xf32, #tpu.memory_space<vmem>>, vector<16xf32>,
      %eq3A_80 = arith.constant 0 : i32
      %eq3A_81 = arith.cmpi eq, %select_n3A_71, %eq3A_80 : i32
      %scan3A_82 = arith.constant 0 : i32
      %scan3A_83 = arith.constant 0 : i32
      %scan3A_84 = arith.constant 80 : i32
      %scan3A_85 = arith.addi %scan3A_83, %scan3A_84 : i32
      %scan3A_86 = arith.constant 1 : i32
      %scan3A_87 = scf.for %scan3A_325 = %scan3A_83 to %scan3A_85 step %scan3A_86 iter_args(%scan3A_326 = %scan3A_82) -> (i32)  : i32 {
        %get3A_327 = arith.index_cast %scan3A_325 : i32 to index
        %get3A_328 = arith.constant 0 : index
        %get3A_329 = tpu.vector_load %arg8[%get3A_327, %get3A_328] {strides = array<i32>} : memref<80x128xbf16, #tpu.memory_space<vmem>>, vector<32xbf16>,
        %unpack3A = tpu.unpack_subelements %get3A_329, 0 {pack_format = #tpu.pack_format<interleaved>} : vector<32xbf16> -> vector<16xf32>
        %unpack3A_330 = tpu.unpack_subelements %get3A_329, 1 {pack_format = #tpu.pack_format<interleaved>} : vector<32xbf16> -> vector<16xf32>
        %mul3A_331 = arith.mulf %get3A_79, %unpack3A : vector<16xf32>
        %get3A_332 = arith.index_cast %scan3A_325 : i32 to index
        %get3A_333 = arith.constant 0 : index
        %get3A_334 = tpu.vector_load %arg12[%get3A_332, %get3A_333] {strides = array<i32>} : memref<80x128xf32, #tpu.memory_space<vmem>>, vector<16xf32>,
        %mul3A_335 = arith.mulf %get3A_79, %unpack3A : vector<16xf32>
        %add3A_336 = arith.addf %get3A_334, %mul3A_335 : vector<16xf32>
        %select_n3A_337 = arith.select %eq3A_81, %mul3A_331, %add3A_336 : vector<16xf32>
        %swap3A = arith.index_cast %scan3A_325 : i32 to index
        %swap3A_338 = arith.constant 0 : index
        %swap3A_339 = tpu.vector_load %arg12[%swap3A, %swap3A_338] {strides = array<i32>} : memref<80x128xf32, #tpu.memory_space<vmem>>, vector<16xf32>,
        tpu.vector_store %arg12[%swap3A, %swap3A_338], %select_n3A_337 {strides = array<i32>} : memref<80x128xf32, #tpu.memory_space<vmem>>, vector<16xf32>,
        %mul3A_340 = arith.mulf %get3A_79, %unpack3A_330 : vector<16xf32>
        %get3A_341 = arith.index_cast %scan3A_325 : i32 to index
        %get3A_342 = arith.constant 16 : index
        %get3A_343 = tpu.vector_load %arg12[%get3A_341, %get3A_342] {strides = array<i32>} : memref<80x128xf32, #tpu.memory_space<vmem>>, vector<16xf32>,
        %mul3A_344 = arith.mulf %get3A_79, %unpack3A_330 : vector<16xf32>
        %add3A_345 = arith.addf %get3A_343, %mul3A_344 : vector<16xf32>
        %select_n3A_346 = arith.select %eq3A_81, %mul3A_340, %add3A_345 : vector<16xf32>
        %swap3A_347 = arith.index_cast %scan3A_325 : i32 to index
        %swap3A_348 = arith.constant 16 : index
        %swap3A_349 = tpu.vector_load %arg12[%swap3A_347, %swap3A_348] {strides = array<i32>} : memref<80x128xf32, #tpu.memory_space<vmem>>, vector<16xf32>,
        tpu.vector_store %arg12[%swap3A_347, %swap3A_348], %select_n3A_346 {strides = array<i32>} : memref<80x128xf32, #tpu.memory_space<vmem>>, vector<16xf32>,
        %get3A_350 = arith.index_cast %scan3A_325 : i32 to index
        %get3A_351 = arith.constant 32 : index
        %get3A_352 = tpu.vector_load %arg8[%get3A_350, %get3A_351] {strides = array<i32>} : memref<80x128xbf16, #tpu.memory_space<vmem>>, vector<32xbf16>,
        %unpack3A_353 = tpu.unpack_subelements %get3A_352, 0 {pack_format = #tpu.pack_format<interleaved>} : vector<32xbf16> -> vector<16xf32>
        %unpack3A_354 = tpu.unpack_subelements %get3A_352, 1 {pack_format = #tpu.pack_format<interleaved>} : vector<32xbf16> -> vector<16xf32>
        %mul3A_355 = arith.mulf %get3A_79, %unpack3A_353 : vector<16xf32>
        %get3A_356 = arith.index_cast %scan3A_325 : i32 to index
        %get3A_357 = arith.constant 32 : index
        %get3A_358 = tpu.vector_load %arg12[%get3A_356, %get3A_357] {strides = array<i32>} : memref<80x128xf32, #tpu.memory_space<vmem>>, vector<16xf32>,
        %mul3A_359 = arith.mulf %get3A_79, %unpack3A_353 : vector<16xf32>
        %add3A_360 = arith.addf %get3A_358, %mul3A_359 : vector<16xf32>
        %select_n3A_361 = arith.select %eq3A_81, %mul3A_355, %add3A_360 : vector<16xf32>
        %swap3A_362 = arith.index_cast %scan3A_325 : i32 to index
        %swap3A_363 = arith.constant 32 : index
        %swap3A_364 = tpu.vector_load %arg12[%swap3A_362, %swap3A_363] {strides = array<i32>} : memref<80x128xf32, #tpu.memory_space<vmem>>, vector<16xf32>,
        tpu.vector_store %arg12[%swap3A_362, %swap3A_363], %select_n3A_361 {strides = array<i32>} : memref<80x128xf32, #tpu.memory_space<vmem>>, vector<16xf32>,
        %mul3A_365 = arith.mulf %get3A_79, %unpack3A_354 : vector<16xf32>
        %get3A_366 = arith.index_cast %scan3A_325 : i32 to index
        %get3A_367 = arith.constant 48 : index
        %get3A_368 = tpu.vector_load %arg12[%get3A_366, %get3A_367] {strides = array<i32>} : memref<80x128xf32, #tpu.memory_space<vmem>>, vector<16xf32>,
        %mul3A_369 = arith.mulf %get3A_79, %unpack3A_354 : vector<16xf32>
        %add3A_370 = arith.addf %get3A_368, %mul3A_369 : vector<16xf32>
        %select_n3A_371 = arith.select %eq3A_81, %mul3A_365, %add3A_370 : vector<16xf32>
        %swap3A_372 = arith.index_cast %scan3A_325 : i32 to index
        %swap3A_373 = arith.constant 48 : index
        %swap3A_374 = tpu.vector_load %arg12[%swap3A_372, %swap3A_373] {strides = array<i32>} : memref<80x128xf32, #tpu.memory_space<vmem>>, vector<16xf32>,
        tpu.vector_store %arg12[%swap3A_372, %swap3A_373], %select_n3A_371 {strides = array<i32>} : memref<80x128xf32, #tpu.memory_space<vmem>>, vector<16xf32>,
        %get3A_375 = arith.index_cast %scan3A_325 : i32 to index
        %get3A_376 = arith.constant 64 : index
        %get3A_377 = tpu.vector_load %arg8[%get3A_375, %get3A_376] {strides = array<i32>} : memref<80x128xbf16, #tpu.memory_space<vmem>>, vector<32xbf16>,
        %unpack3A_378 = tpu.unpack_subelements %get3A_377, 0 {pack_format = #tpu.pack_format<interleaved>} : vector<32xbf16> -> vector<16xf32>
        %unpack3A_379 = tpu.unpack_subelements %get3A_377, 1 {pack_format = #tpu.pack_format<interleaved>} : vector<32xbf16> -> vector<16xf32>
        %mul3A_380 = arith.mulf %get3A_79, %unpack3A_378 : vector<16xf32>
        %get3A_381 = arith.index_cast %scan3A_325 : i32 to index
        %get3A_382 = arith.constant 64 : index
        %get3A_383 = tpu.vector_load %arg12[%get3A_381, %get3A_382] {strides = array<i32>} : memref<80x128xf32, #tpu.memory_space<vmem>>, vector<16xf32>,
        %mul3A_384 = arith.mulf %get3A_79, %unpack3A_378 : vector<16xf32>
        %add3A_385 = arith.addf %get3A_383, %mul3A_384 : vector<16xf32>
        %select_n3A_386 = arith.select %eq3A_81, %mul3A_380, %add3A_385 : vector<16xf32>
        %swap3A_387 = arith.index_cast %scan3A_325 : i32 to index
        %swap3A_388 = arith.constant 64 : index
        %swap3A_389 = tpu.vector_load %arg12[%swap3A_387, %swap3A_388] {strides = array<i32>} : memref<80x128xf32, #tpu.memory_space<vmem>>, vector<16xf32>,
        tpu.vector_store %arg12[%swap3A_387, %swap3A_388], %select_n3A_386 {strides = array<i32>} : memref<80x128xf32, #tpu.memory_space<vmem>>, vector<16xf32>,
        %mul3A_390 = arith.mulf %get3A_79, %unpack3A_379 : vector<16xf32>
        %get3A_391 = arith.index_cast %scan3A_325 : i32 to index
        %get3A_392 = arith.constant 80 : index
        %get3A_393 = tpu.vector_load %arg12[%get3A_391, %get3A_392] {strides = array<i32>} : memref<80x128xf32, #tpu.memory_space<vmem>>, vector<16xf32>,
        %mul3A_394 = arith.mulf %get3A_79, %unpack3A_379 : vector<16xf32>
        %add3A_395 = arith.addf %get3A_393, %mul3A_394 : vector<16xf32>
        %select_n3A_396 = arith.select %eq3A_81, %mul3A_390, %add3A_395 : vector<16xf32>
        %swap3A_397 = arith.index_cast %scan3A_325 : i32 to index
        %swap3A_398 = arith.constant 80 : index
        %swap3A_399 = tpu.vector_load %arg12[%swap3A_397, %swap3A_398] {strides = array<i32>} : memref<80x128xf32, #tpu.memory_space<vmem>>, vector<16xf32>,
        tpu.vector_store %arg12[%swap3A_397, %swap3A_398], %select_n3A_396 {strides = array<i32>} : memref<80x128xf32, #tpu.memory_space<vmem>>, vector<16xf32>,
        %get3A_400 = arith.index_cast %scan3A_325 : i32 to index
        %get3A_401 = arith.constant 96 : index
        %get3A_402 = tpu.vector_load %arg8[%get3A_400, %get3A_401] {strides = array<i32>} : memref<80x128xbf16, #tpu.memory_space<vmem>>, vector<32xbf16>,
        %unpack3A_403 = tpu.unpack_subelements %get3A_402, 0 {pack_format = #tpu.pack_format<interleaved>} : vector<32xbf16> -> vector<16xf32>
        %unpack3A_404 = tpu.unpack_subelements %get3A_402, 1 {pack_format = #tpu.pack_format<interleaved>} : vector<32xbf16> -> vector<16xf32>
        %mul3A_405 = arith.mulf %get3A_79, %unpack3A_403 : vector<16xf32>
        %get3A_406 = arith.index_cast %scan3A_325 : i32 to index
        %get3A_407 = arith.constant 96 : index
        %get3A_408 = tpu.vector_load %arg12[%get3A_406, %get3A_407] {strides = array<i32>} : memref<80x128xf32, #tpu.memory_space<vmem>>, vector<16xf32>,
        %mul3A_409 = arith.mulf %get3A_79, %unpack3A_403 : vector<16xf32>
        %add3A_410 = arith.addf %get3A_408, %mul3A_409 : vector<16xf32>
        %select_n3A_411 = arith.select %eq3A_81, %mul3A_405, %add3A_410 : vector<16xf32>
        %swap3A_412 = arith.index_cast %scan3A_325 : i32 to index
        %swap3A_413 = arith.constant 96 : index
        %swap3A_414 = tpu.vector_load %arg12[%swap3A_412, %swap3A_413] {strides = array<i32>} : memref<80x128xf32, #tpu.memory_space<vmem>>, vector<16xf32>,
        tpu.vector_store %arg12[%swap3A_412, %swap3A_413], %select_n3A_411 {strides = array<i32>} : memref<80x128xf32, #tpu.memory_space<vmem>>, vector<16xf32>,
        %mul3A_415 = arith.mulf %get3A_79, %unpack3A_404 : vector<16xf32>
        %get3A_416 = arith.index_cast %scan3A_325 : i32 to index
        %get3A_417 = arith.constant 112 : index
        %get3A_418 = tpu.vector_load %arg12[%get3A_416, %get3A_417] {strides = array<i32>} : memref<80x128xf32, #tpu.memory_space<vmem>>, vector<16xf32>,
        %mul3A_419 = arith.mulf %get3A_79, %unpack3A_404 : vector<16xf32>
        %add3A_420 = arith.addf %get3A_418, %mul3A_419 : vector<16xf32>
        %select_n3A_421 = arith.select %eq3A_81, %mul3A_415, %add3A_420 : vector<16xf32>
        %swap3A_422 = arith.index_cast %scan3A_325 : i32 to index
        %swap3A_423 = arith.constant 112 : index
        %swap3A_424 = tpu.vector_load %arg12[%swap3A_422, %swap3A_423] {strides = array<i32>} : memref<80x128xf32, #tpu.memory_space<vmem>>, vector<16xf32>,
        tpu.vector_store %arg12[%swap3A_422, %swap3A_423], %select_n3A_421 {strides = array<i32>} : memref<80x128xf32, #tpu.memory_space<vmem>>, vector<16xf32>,
        %scan3A_425 = arith.constant 0 : i32
        scf.yield %scan3A_425 : i32
      }
      %scan3A_88 = arith.constant 80 : i32
      %add3A_89 = arith.constant 4 : i32
      %add3A_90 = arith.addi %add3A_41, %add3A_89 : i32
      %lt3A_91 = arith.constant 128 : i32
      %lt3A_92 = arith.cmpi slt, %add3A_90, %lt3A_91 : i32
      %convert_element_type3A = arith.extui %lt3A_92 : i1 to i32
      %cond3A = arith.constant 0 : i32
      %cond3A_93 = arith.cmpi ne, %convert_element_type3A, %cond3A : i32
      scf.if %cond3A_93 {
        %add3A_325 = arith.constant 4 : i32
        %add3A_326 = arith.addi %add3A_41, %add3A_325 : i32
        %jit3A_327 = arith.constant 32 : i32
        %div3A_328 = arith.divsi %add3A_326, %jit3A_327 : i32
        %sign3A_329 = arith.constant 0 : i32
        %sign3A_330 = arith.cmpi sgt, %add3A_326, %sign3A_329 : i32
        %sign3A_331 = arith.extui %sign3A_330 : i1 to i32
        %sign3A_332 = arith.constant 0 : i32
        %sign3A_333 = arith.cmpi slt, %add3A_326, %sign3A_332 : i32
        %sign3A_334 = arith.extui %sign3A_333 : i1 to i32
        %sign3A_335 = arith.subi %sign3A_331, %sign3A_334 : i32
        %sign3A_336 = arith.constant 0 : i32
        %sign3A_337 = arith.cmpi sgt, %jit3A_327, %sign3A_336 : i32
        %sign3A_338 = arith.extui %sign3A_337 : i1 to i32
        %sign3A_339 = arith.constant 0 : i32
        %sign3A_340 = arith.cmpi slt, %jit3A_327, %sign3A_339 : i32
        %sign3A_341 = arith.extui %sign3A_340 : i1 to i32
        %sign3A_342 = arith.subi %sign3A_338, %sign3A_341 : i32
        %ne3A_343 = arith.cmpi ne, %sign3A_335, %sign3A_342 : i32
        %rem3A_344 = arith.remsi %add3A_326, %jit3A_327 : i32
        %ne3A_345 = arith.constant 0 : i32
        %ne3A_346 = arith.cmpi ne, %rem3A_344, %ne3A_345 : i32
        %and3A_347 = arith.andi %ne3A_343, %ne3A_346 : i1
        %sub3A_348 = arith.constant 1 : i32
        %sub3A_349 = arith.subi %div3A_328, %sub3A_348 : i32
        %select_n3A_350 = arith.select %and3A_347, %sub3A_349, %div3A_328 : i32
        %jit3A_351 = arith.constant 32 : i32
        %eq3A_352 = arith.constant 0 : i32
        %eq3A_353 = arith.cmpi eq, %jit3A_351, %eq3A_352 : i32
        %jit3A_354 = arith.constant 1 : i32
        %select_n3A_355 = arith.select %eq3A_353, %jit3A_354, %jit3A_351 : i32
        %rem3A_356 = arith.remsi %add3A_326, %select_n3A_355 : i32
        %ne3A_357 = arith.constant 0 : i32
        %ne3A_358 = arith.cmpi ne, %rem3A_356, %ne3A_357 : i32
        %lt3A_359 = arith.constant 0 : i32
        %lt3A_360 = arith.cmpi slt, %rem3A_356, %lt3A_359 : i32
        %lt3A_361 = arith.constant 0 : i32
        %lt3A_362 = arith.cmpi slt, %select_n3A_355, %lt3A_361 : i32
        %ne3A_363 = arith.xori %lt3A_360, %lt3A_362 : i1
        %and3A_364 = arith.andi %ne3A_363, %ne3A_358 : i1
        %add3A_365 = arith.addi %rem3A_356, %select_n3A_355 : i32
        %select_n3A_366 = arith.select %and3A_364, %add3A_365, %rem3A_356 : i32
        %mul3A_367 = arith.constant 80 : i32
        %mul3A_368 = arith.muli %select_n3A_350, %mul3A_367 : i32
        %dma_start3A_369 = tpu.memref_slice %arg6[%select_n3A_366, %mul3A_368] : memref<32x320xi32, #tpu.memory_space<vmem>> -> memref<1x80xi32, #tpu.memory_space<vmem>>
        %dma_start3A_370 = tpu.memref_squeeze %dma_start3A_369 : memref<1x80xi32, #tpu.memory_space<vmem>> -> memref<80xi32, #tpu.memory_space<vmem>>
        %dma_start3A_371 = arith.constant 0 : i32
        %dma_start3A_372 = arith.constant 0 : i32
        %dma_start3A_373 = tpu.memref_slice %arg2[%dma_start3A_371, %dma_start3A_372] : memref<20000x128xbf16, #tpu.memory_space<hbm>> -> memref<20000x128xbf16, #tpu.memory_space<hbm>>
        tpu.enqueue_indirect_dma source(%dma_start3A_373 : memref<20000x128xbf16, #tpu.memory_space<hbm>>) target(%arg8 : memref<80x128xbf16, #tpu.memory_space<vmem>>) offsets(%dma_start3A_370 : memref<80xi32, #tpu.memory_space<vmem>>) semaphore(%arg13 : memref<!tpu.dma_semaphore, #tpu.memory_space<semaphore_mem>>)
      } else {
      }
      %eq3A_94 = arith.constant 31 : i32
      %eq3A_95 = arith.cmpi eq, %select_n3A_71, %eq3A_94 : i32
      %convert_element_type3A_96 = arith.extui %eq3A_95 : i1 to i32
      %cond3A_97 = arith.constant 0 : i32
      %cond3A_98 = arith.cmpi ne, %convert_element_type3A_96, %cond3A_97 : i32
      scf.if %cond3A_98 {
        %get3A_325 = arith.constant 32 : i32
        %get3A_326 = arith.index_cast %get3A_325 : i32 to index
        %get3A_327 = arith.constant 0 : index
        %get3A_328 = tpu.vector_load %arg7[%get3A_326, %get3A_327] {strides = array<i32>} : memref<33x16xf32, #tpu.memory_space<vmem>>, vector<16xf32>,
        %scan3A_329 = arith.constant 0 : i32
        %scan3A_330 = arith.constant 0 : i32
        %scan3A_331 = arith.constant 80 : i32
        %scan3A_332 = arith.addi %scan3A_330, %scan3A_331 : i32
        %scan3A_333 = arith.constant 1 : i32
        %scan3A_334 = scf.for %scan3A_344 = %scan3A_330 to %scan3A_332 step %scan3A_333 iter_args(%scan3A_345 = %scan3A_329) -> (i32)  : i32 {
          %get3A_346 = arith.index_cast %scan3A_344 : i32 to index
          %get3A_347 = arith.constant 0 : index
          %get3A_348 = tpu.vector_load %arg12[%get3A_346, %get3A_347] {strides = array<i32>} : memref<80x128xf32, #tpu.memory_space<vmem>>, vector<16xf32>,
          %max3A = arith.constant 0.000000e+00 : f32
          %max3A_349 = vector.broadcast %max3A : f32 to vector<16xf32>
          %max3A_350 = arith.maximumf %get3A_348, %max3A_349 : vector<16xf32>
          %add3A_351 = arith.addf %max3A_350, %get3A_328 : vector<16xf32>
          %swap3A = arith.index_cast %scan3A_344 : i32 to index
          %swap3A_352 = arith.constant 0 : index
          %swap3A_353 = tpu.vector_load %arg12[%swap3A, %swap3A_352] {strides = array<i32>} : memref<80x128xf32, #tpu.memory_space<vmem>>, vector<16xf32>,
          tpu.vector_store %arg12[%swap3A, %swap3A_352], %add3A_351 {strides = array<i32>} : memref<80x128xf32, #tpu.memory_space<vmem>>, vector<16xf32>,
          %get3A_354 = arith.index_cast %scan3A_344 : i32 to index
          %get3A_355 = arith.constant 16 : index
          %get3A_356 = tpu.vector_load %arg12[%get3A_354, %get3A_355] {strides = array<i32>} : memref<80x128xf32, #tpu.memory_space<vmem>>, vector<16xf32>,
          %max3A_357 = arith.constant 0.000000e+00 : f32
          %max3A_358 = vector.broadcast %max3A_357 : f32 to vector<16xf32>
          %max3A_359 = arith.maximumf %get3A_356, %max3A_358 : vector<16xf32>
          %add3A_360 = arith.addf %max3A_359, %get3A_328 : vector<16xf32>
          %swap3A_361 = arith.index_cast %scan3A_344 : i32 to index
          %swap3A_362 = arith.constant 16 : index
          %swap3A_363 = tpu.vector_load %arg12[%swap3A_361, %swap3A_362] {strides = array<i32>} : memref<80x128xf32, #tpu.memory_space<vmem>>, vector<16xf32>,
          tpu.vector_store %arg12[%swap3A_361, %swap3A_362], %add3A_360 {strides = array<i32>} : memref<80x128xf32, #tpu.memory_space<vmem>>, vector<16xf32>,
          %get3A_364 = arith.index_cast %scan3A_344 : i32 to index
          %get3A_365 = arith.constant 32 : index
          %get3A_366 = tpu.vector_load %arg12[%get3A_364, %get3A_365] {strides = array<i32>} : memref<80x128xf32, #tpu.memory_space<vmem>>, vector<16xf32>,
          %max3A_367 = arith.constant 0.000000e+00 : f32
          %max3A_368 = vector.broadcast %max3A_367 : f32 to vector<16xf32>
          %max3A_369 = arith.maximumf %get3A_366, %max3A_368 : vector<16xf32>
          %add3A_370 = arith.addf %max3A_369, %get3A_328 : vector<16xf32>
          %swap3A_371 = arith.index_cast %scan3A_344 : i32 to index
          %swap3A_372 = arith.constant 32 : index
          %swap3A_373 = tpu.vector_load %arg12[%swap3A_371, %swap3A_372] {strides = array<i32>} : memref<80x128xf32, #tpu.memory_space<vmem>>, vector<16xf32>,
          tpu.vector_store %arg12[%swap3A_371, %swap3A_372], %add3A_370 {strides = array<i32>} : memref<80x128xf32, #tpu.memory_space<vmem>>, vector<16xf32>,
          %get3A_374 = arith.index_cast %scan3A_344 : i32 to index
          %get3A_375 = arith.constant 48 : index
          %get3A_376 = tpu.vector_load %arg12[%get3A_374, %get3A_375] {strides = array<i32>} : memref<80x128xf32, #tpu.memory_space<vmem>>, vector<16xf32>,
          %max3A_377 = arith.constant 0.000000e+00 : f32
          %max3A_378 = vector.broadcast %max3A_377 : f32 to vector<16xf32>
          %max3A_379 = arith.maximumf %get3A_376, %max3A_378 : vector<16xf32>
          %add3A_380 = arith.addf %max3A_379, %get3A_328 : vector<16xf32>
          %swap3A_381 = arith.index_cast %scan3A_344 : i32 to index
          %swap3A_382 = arith.constant 48 : index
          %swap3A_383 = tpu.vector_load %arg12[%swap3A_381, %swap3A_382] {strides = array<i32>} : memref<80x128xf32, #tpu.memory_space<vmem>>, vector<16xf32>,
          tpu.vector_store %arg12[%swap3A_381, %swap3A_382], %add3A_380 {strides = array<i32>} : memref<80x128xf32, #tpu.memory_space<vmem>>, vector<16xf32>,
          %get3A_384 = arith.index_cast %scan3A_344 : i32 to index
          %get3A_385 = arith.constant 64 : index
          %get3A_386 = tpu.vector_load %arg12[%get3A_384, %get3A_385] {strides = array<i32>} : memref<80x128xf32, #tpu.memory_space<vmem>>, vector<16xf32>,
          %max3A_387 = arith.constant 0.000000e+00 : f32
          %max3A_388 = vector.broadcast %max3A_387 : f32 to vector<16xf32>
          %max3A_389 = arith.maximumf %get3A_386, %max3A_388 : vector<16xf32>
          %add3A_390 = arith.addf %max3A_389, %get3A_328 : vector<16xf32>
          %swap3A_391 = arith.index_cast %scan3A_344 : i32 to index
          %swap3A_392 = arith.constant 64 : index
          %swap3A_393 = tpu.vector_load %arg12[%swap3A_391, %swap3A_392] {strides = array<i32>} : memref<80x128xf32, #tpu.memory_space<vmem>>, vector<16xf32>,
          tpu.vector_store %arg12[%swap3A_391, %swap3A_392], %add3A_390 {strides = array<i32>} : memref<80x128xf32, #tpu.memory_space<vmem>>, vector<16xf32>,
          %get3A_394 = arith.index_cast %scan3A_344 : i32 to index
          %get3A_395 = arith.constant 80 : index
          %get3A_396 = tpu.vector_load %arg12[%get3A_394, %get3A_395] {strides = array<i32>} : memref<80x128xf32, #tpu.memory_space<vmem>>, vector<16xf32>,
          %max3A_397 = arith.constant 0.000000e+00 : f32
          %max3A_398 = vector.broadcast %max3A_397 : f32 to vector<16xf32>
          %max3A_399 = arith.maximumf %get3A_396, %max3A_398 : vector<16xf32>
          %add3A_400 = arith.addf %max3A_399, %get3A_328 : vector<16xf32>
          %swap3A_401 = arith.index_cast %scan3A_344 : i32 to index
          %swap3A_402 = arith.constant 80 : index
          %swap3A_403 = tpu.vector_load %arg12[%swap3A_401, %swap3A_402] {strides = array<i32>} : memref<80x128xf32, #tpu.memory_space<vmem>>, vector<16xf32>,
          tpu.vector_store %arg12[%swap3A_401, %swap3A_402], %add3A_400 {strides = array<i32>} : memref<80x128xf32, #tpu.memory_space<vmem>>, vector<16xf32>,
          %get3A_404 = arith.index_cast %scan3A_344 : i32 to index
          %get3A_405 = arith.constant 96 : index
          %get3A_406 = tpu.vector_load %arg12[%get3A_404, %get3A_405] {strides = array<i32>} : memref<80x128xf32, #tpu.memory_space<vmem>>, vector<16xf32>,
          %max3A_407 = arith.constant 0.000000e+00 : f32
          %max3A_408 = vector.broadcast %max3A_407 : f32 to vector<16xf32>
          %max3A_409 = arith.maximumf %get3A_406, %max3A_408 : vector<16xf32>
          %add3A_410 = arith.addf %max3A_409, %get3A_328 : vector<16xf32>
          %swap3A_411 = arith.index_cast %scan3A_344 : i32 to index
          %swap3A_412 = arith.constant 96 : index
          %swap3A_413 = tpu.vector_load %arg12[%swap3A_411, %swap3A_412] {strides = array<i32>} : memref<80x128xf32, #tpu.memory_space<vmem>>, vector<16xf32>,
          tpu.vector_store %arg12[%swap3A_411, %swap3A_412], %add3A_410 {strides = array<i32>} : memref<80x128xf32, #tpu.memory_space<vmem>>, vector<16xf32>,
          %get3A_414 = arith.index_cast %scan3A_344 : i32 to index
          %get3A_415 = arith.constant 112 : index
          %get3A_416 = tpu.vector_load %arg12[%get3A_414, %get3A_415] {strides = array<i32>} : memref<80x128xf32, #tpu.memory_space<vmem>>, vector<16xf32>,
          %max3A_417 = arith.constant 0.000000e+00 : f32
          %max3A_418 = vector.broadcast %max3A_417 : f32 to vector<16xf32>
          %max3A_419 = arith.maximumf %get3A_416, %max3A_418 : vector<16xf32>
          %add3A_420 = arith.addf %max3A_419, %get3A_328 : vector<16xf32>
          %swap3A_421 = arith.index_cast %scan3A_344 : i32 to index
          %swap3A_422 = arith.constant 112 : index
          %swap3A_423 = tpu.vector_load %arg12[%swap3A_421, %swap3A_422] {strides = array<i32>} : memref<80x128xf32, #tpu.memory_space<vmem>>, vector<16xf32>,
          tpu.vector_store %arg12[%swap3A_421, %swap3A_422], %add3A_420 {strides = array<i32>} : memref<80x128xf32, #tpu.memory_space<vmem>>, vector<16xf32>,
          %scan3A_424 = arith.constant 0 : i32
          scf.yield %scan3A_424 : i32
        }
        %scan3A_335 = arith.constant 80 : i32
        %mul3A_336 = arith.constant 80 : i32
        %mul3A_337 = arith.muli %select_n3A, %mul3A_336 : i32
        %add3A_338 = arith.addi %mul3A_2, %mul3A_337 : i32
        %lt3A_339 = arith.constant 10000 : i32
        %lt3A_340 = arith.cmpi slt, %add3A_338, %lt3A_339 : i32
        %convert_element_type3A_341 = arith.extui %lt3A_340 : i1 to i32
        %cond3A_342 = arith.constant 0 : i32
        %cond3A_343 = arith.cmpi ne, %convert_element_type3A_341, %cond3A_342 : i32
        scf.if %cond3A_343 {
          "tpu.region"() ({
            %run_scoped3A = tpu.sem_alloc : memref<!tpu.dma_semaphore, #tpu.memory_space<semaphore_mem>>
            %dma_start3A_344 = arith.constant 0 : i32
            %dma_start3A_345 = tpu.memref_slice %arg5[%add3A_338, %dma_start3A_344] : memref<10000x128xf32, #tpu.memory_space<hbm>> -> memref<80x128xf32, #tpu.memory_space<hbm>>
            %dma_start3A_346 = arith.constant 0 : i32
            %dma_start3A_347 = tpu.memref_slice %arg5[%add3A_338, %dma_start3A_346] : memref<10000x128xf32, #tpu.memory_space<hbm>> -> memref<80x128xf32, #tpu.memory_space<hbm>>
            tpu.enqueue_dma source(%arg12 : memref<80x128xf32, #tpu.memory_space<vmem>>) target(%dma_start3A_347 : memref<80x128xf32, #tpu.memory_space<hbm>>) target_semaphore(%run_scoped3A : memref<!tpu.dma_semaphore, #tpu.memory_space<semaphore_mem>>)
            %dma_wait3A_348 = arith.constant 0 : i32
            %dma_wait3A_349 = tpu.memref_slice %arg5[%add3A_338, %dma_wait3A_348] : memref<10000x128xf32, #tpu.memory_space<hbm>> -> memref<80x128xf32, #tpu.memory_space<hbm>>
            %dma_wait3A_350 = arith.constant 0 : i32
            %dma_wait3A_351 = tpu.memref_slice %arg5[%add3A_338, %dma_wait3A_350] : memref<10000x128xf32, #tpu.memory_space<hbm>> -> memref<80x128xf32, #tpu.memory_space<hbm>>
            tpu.wait_dma2 semaphore(%run_scoped3A : memref<!tpu.dma_semaphore, #tpu.memory_space<semaphore_mem>>) src(%arg12 : memref<80x128xf32, #tpu.memory_space<vmem>>) dst(%dma_wait3A_351 : memref<80x128xf32, #tpu.memory_space<hbm>>)
            tpu.yield
          }) : () -> ()
        } else {
        }
      } else {
      }
      %mul3A_99 = arith.constant 4 : i32
      %mul3A_100 = arith.muli %scan3A_36, %mul3A_99 : i32
      %add3A_101 = arith.constant 1 : i32
      %add3A_102 = arith.addi %mul3A_100, %add3A_101 : i32
      %jit3A_103 = arith.constant 32 : i32
      %div3A_104 = arith.divsi %add3A_102, %jit3A_103 : i32
      %sign3A_105 = arith.constant 0 : i32
      %sign3A_106 = arith.cmpi sgt, %add3A_102, %sign3A_105 : i32
      %sign3A_107 = arith.extui %sign3A_106 : i1 to i32
      %sign3A_108 = arith.constant 0 : i32
      %sign3A_109 = arith.cmpi slt, %add3A_102, %sign3A_108 : i32
      %sign3A_110 = arith.extui %sign3A_109 : i1 to i32
      %sign3A_111 = arith.subi %sign3A_107, %sign3A_110 : i32
      %sign3A_112 = arith.constant 0 : i32
      %sign3A_113 = arith.cmpi sgt, %jit3A_103, %sign3A_112 : i32
      %sign3A_114 = arith.extui %sign3A_113 : i1 to i32
      %sign3A_115 = arith.constant 0 : i32
      %sign3A_116 = arith.cmpi slt, %jit3A_103, %sign3A_115 : i32
      %sign3A_117 = arith.extui %sign3A_116 : i1 to i32
      %sign3A_118 = arith.subi %sign3A_114, %sign3A_117 : i32
      %ne3A_119 = arith.cmpi ne, %sign3A_111, %sign3A_118 : i32
      %rem3A_120 = arith.remsi %add3A_102, %jit3A_103 : i32
      %ne3A_121 = arith.constant 0 : i32
      %ne3A_122 = arith.cmpi ne, %rem3A_120, %ne3A_121 : i32
      %and3A_123 = arith.andi %ne3A_119, %ne3A_122 : i1
      %sub3A_124 = arith.constant 1 : i32
      %sub3A_125 = arith.subi %div3A_104, %sub3A_124 : i32
      %select_n3A_126 = arith.select %and3A_123, %sub3A_125, %div3A_104 : i32
      %jit3A_127 = arith.constant 32 : i32
      %eq3A_128 = arith.constant 0 : i32
      %eq3A_129 = arith.cmpi eq, %jit3A_127, %eq3A_128 : i32
      %jit3A_130 = arith.constant 1 : i32
      %select_n3A_131 = arith.select %eq3A_129, %jit3A_130, %jit3A_127 : i32
      %rem3A_132 = arith.remsi %add3A_102, %select_n3A_131 : i32
      %ne3A_133 = arith.constant 0 : i32
      %ne3A_134 = arith.cmpi ne, %rem3A_132, %ne3A_133 : i32
      %lt3A_135 = arith.constant 0 : i32
      %lt3A_136 = arith.cmpi slt, %rem3A_132, %lt3A_135 : i32
      %lt3A_137 = arith.constant 0 : i32
      %lt3A_138 = arith.cmpi slt, %select_n3A_131, %lt3A_137 : i32
      %ne3A_139 = arith.xori %lt3A_136, %lt3A_138 : i1
      %and3A_140 = arith.andi %ne3A_139, %ne3A_134 : i1
      %add3A_141 = arith.addi %rem3A_132, %select_n3A_131 : i32
      %select_n3A_142 = arith.select %and3A_140, %add3A_141, %rem3A_132 : i32
      %dma_wait3A_143 = arith.constant 0 : i32
      %dma_wait3A_144 = arith.constant 0 : i32
      %dma_wait3A_145 = tpu.memref_slice %arg6[%dma_wait3A_143, %dma_wait3A_144] : memref<32x320xi32, #tpu.memory_space<vmem>> -> memref<1x80xi32, #tpu.memory_space<vmem>>
      %dma_wait3A_146 = tpu.memref_squeeze %dma_wait3A_145 : memref<1x80xi32, #tpu.memory_space<vmem>> -> memref<80xi32, #tpu.memory_space<vmem>>
      %dma_wait3A_147 = arith.constant 0 : i32
      %dma_wait3A_148 = arith.constant 0 : i32
      %dma_wait3A_149 = tpu.memref_slice %arg2[%dma_wait3A_147, %dma_wait3A_148] : memref<20000x128xbf16, #tpu.memory_space<hbm>> -> memref<20000x128xbf16, #tpu.memory_space<hbm>>
      tpu.wait_indirect_dma semaphore(%arg14 : memref<!tpu.dma_semaphore, #tpu.memory_space<semaphore_mem>>) src(%dma_wait3A_149 : memref<20000x128xbf16, #tpu.memory_space<hbm>>) dst(%arg9 : memref<80x128xbf16, #tpu.memory_space<vmem>>)
      %get3A_150 = arith.index_cast %select_n3A_142 : i32 to index
      %get3A_151 = arith.constant 0 : index
      %get3A_152 = tpu.vector_load %arg7[%get3A_150, %get3A_151] {strides = array<i32>} : memref<33x16xf32, #tpu.memory_space<vmem>>, vector<16xf32>,
      %eq3A_153 = arith.constant 0 : i32
      %eq3A_154 = arith.cmpi eq, %select_n3A_142, %eq3A_153 : i32
      %scan3A_155 = arith.constant 0 : i32
      %scan3A_156 = arith.constant 0 : i32
      %scan3A_157 = arith.constant 80 : i32
      %scan3A_158 = arith.addi %scan3A_156, %scan3A_157 : i32
      %scan3A_159 = arith.constant 1 : i32
      %scan3A_160 = scf.for %scan3A_325 = %scan3A_156 to %scan3A_158 step %scan3A_159 iter_args(%scan3A_326 = %scan3A_155) -> (i32)  : i32 {
        %get3A_327 = arith.index_cast %scan3A_325 : i32 to index
        %get3A_328 = arith.constant 0 : index
        %get3A_329 = tpu.vector_load %arg9[%get3A_327, %get3A_328] {strides = array<i32>} : memref<80x128xbf16, #tpu.memory_space<vmem>>, vector<32xbf16>,
        %unpack3A = tpu.unpack_subelements %get3A_329, 0 {pack_format = #tpu.pack_format<interleaved>} : vector<32xbf16> -> vector<16xf32>
        %unpack3A_330 = tpu.unpack_subelements %get3A_329, 1 {pack_format = #tpu.pack_format<interleaved>} : vector<32xbf16> -> vector<16xf32>
        %mul3A_331 = arith.mulf %get3A_152, %unpack3A : vector<16xf32>
        %get3A_332 = arith.index_cast %scan3A_325 : i32 to index
        %get3A_333 = arith.constant 0 : index
        %get3A_334 = tpu.vector_load %arg12[%get3A_332, %get3A_333] {strides = array<i32>} : memref<80x128xf32, #tpu.memory_space<vmem>>, vector<16xf32>,
        %mul3A_335 = arith.mulf %get3A_152, %unpack3A : vector<16xf32>
        %add3A_336 = arith.addf %get3A_334, %mul3A_335 : vector<16xf32>
        %select_n3A_337 = arith.select %eq3A_154, %mul3A_331, %add3A_336 : vector<16xf32>
        %swap3A = arith.index_cast %scan3A_325 : i32 to index
        %swap3A_338 = arith.constant 0 : index
        %swap3A_339 = tpu.vector_load %arg12[%swap3A, %swap3A_338] {strides = array<i32>} : memref<80x128xf32, #tpu.memory_space<vmem>>, vector<16xf32>,
        tpu.vector_store %arg12[%swap3A, %swap3A_338], %select_n3A_337 {strides = array<i32>} : memref<80x128xf32, #tpu.memory_space<vmem>>, vector<16xf32>,
        %mul3A_340 = arith.mulf %get3A_152, %unpack3A_330 : vector<16xf32>
        %get3A_341 = arith.index_cast %scan3A_325 : i32 to index
        %get3A_342 = arith.constant 16 : index
        %get3A_343 = tpu.vector_load %arg12[%get3A_341, %get3A_342] {strides = array<i32>} : memref<80x128xf32, #tpu.memory_space<vmem>>, vector<16xf32>,
        %mul3A_344 = arith.mulf %get3A_152, %unpack3A_330 : vector<16xf32>
        %add3A_345 = arith.addf %get3A_343, %mul3A_344 : vector<16xf32>
        %select_n3A_346 = arith.select %eq3A_154, %mul3A_340, %add3A_345 : vector<16xf32>
        %swap3A_347 = arith.index_cast %scan3A_325 : i32 to index
        %swap3A_348 = arith.constant 16 : index
        %swap3A_349 = tpu.vector_load %arg12[%swap3A_347, %swap3A_348] {strides = array<i32>} : memref<80x128xf32, #tpu.memory_space<vmem>>, vector<16xf32>,
        tpu.vector_store %arg12[%swap3A_347, %swap3A_348], %select_n3A_346 {strides = array<i32>} : memref<80x128xf32, #tpu.memory_space<vmem>>, vector<16xf32>,
        %get3A_350 = arith.index_cast %scan3A_325 : i32 to index
        %get3A_351 = arith.constant 32 : index
        %get3A_352 = tpu.vector_load %arg9[%get3A_350, %get3A_351] {strides = array<i32>} : memref<80x128xbf16, #tpu.memory_space<vmem>>, vector<32xbf16>,
        %unpack3A_353 = tpu.unpack_subelements %get3A_352, 0 {pack_format = #tpu.pack_format<interleaved>} : vector<32xbf16> -> vector<16xf32>
        %unpack3A_354 = tpu.unpack_subelements %get3A_352, 1 {pack_format = #tpu.pack_format<interleaved>} : vector<32xbf16> -> vector<16xf32>
        %mul3A_355 = arith.mulf %get3A_152, %unpack3A_353 : vector<16xf32>
        %get3A_356 = arith.index_cast %scan3A_325 : i32 to index
        %get3A_357 = arith.constant 32 : index
        %get3A_358 = tpu.vector_load %arg12[%get3A_356, %get3A_357] {strides = array<i32>} : memref<80x128xf32, #tpu.memory_space<vmem>>, vector<16xf32>,
        %mul3A_359 = arith.mulf %get3A_152, %unpack3A_353 : vector<16xf32>
        %add3A_360 = arith.addf %get3A_358, %mul3A_359 : vector<16xf32>
        %select_n3A_361 = arith.select %eq3A_154, %mul3A_355, %add3A_360 : vector<16xf32>
        %swap3A_362 = arith.index_cast %scan3A_325 : i32 to index
        %swap3A_363 = arith.constant 32 : index
        %swap3A_364 = tpu.vector_load %arg12[%swap3A_362, %swap3A_363] {strides = array<i32>} : memref<80x128xf32, #tpu.memory_space<vmem>>, vector<16xf32>,
        tpu.vector_store %arg12[%swap3A_362, %swap3A_363], %select_n3A_361 {strides = array<i32>} : memref<80x128xf32, #tpu.memory_space<vmem>>, vector<16xf32>,
        %mul3A_365 = arith.mulf %get3A_152, %unpack3A_354 : vector<16xf32>
        %get3A_366 = arith.index_cast %scan3A_325 : i32 to index
        %get3A_367 = arith.constant 48 : index
        %get3A_368 = tpu.vector_load %arg12[%get3A_366, %get3A_367] {strides = array<i32>} : memref<80x128xf32, #tpu.memory_space<vmem>>, vector<16xf32>,
        %mul3A_369 = arith.mulf %get3A_152, %unpack3A_354 : vector<16xf32>
        %add3A_370 = arith.addf %get3A_368, %mul3A_369 : vector<16xf32>
        %select_n3A_371 = arith.select %eq3A_154, %mul3A_365, %add3A_370 : vector<16xf32>
        %swap3A_372 = arith.index_cast %scan3A_325 : i32 to index
        %swap3A_373 = arith.constant 48 : index
        %swap3A_374 = tpu.vector_load %arg12[%swap3A_372, %swap3A_373] {strides = array<i32>} : memref<80x128xf32, #tpu.memory_space<vmem>>, vector<16xf32>,
        tpu.vector_store %arg12[%swap3A_372, %swap3A_373], %select_n3A_371 {strides = array<i32>} : memref<80x128xf32, #tpu.memory_space<vmem>>, vector<16xf32>,
        %get3A_375 = arith.index_cast %scan3A_325 : i32 to index
        %get3A_376 = arith.constant 64 : index
        %get3A_377 = tpu.vector_load %arg9[%get3A_375, %get3A_376] {strides = array<i32>} : memref<80x128xbf16, #tpu.memory_space<vmem>>, vector<32xbf16>,
        %unpack3A_378 = tpu.unpack_subelements %get3A_377, 0 {pack_format = #tpu.pack_format<interleaved>} : vector<32xbf16> -> vector<16xf32>
        %unpack3A_379 = tpu.unpack_subelements %get3A_377, 1 {pack_format = #tpu.pack_format<interleaved>} : vector<32xbf16> -> vector<16xf32>
        %mul3A_380 = arith.mulf %get3A_152, %unpack3A_378 : vector<16xf32>
        %get3A_381 = arith.index_cast %scan3A_325 : i32 to index
        %get3A_382 = arith.constant 64 : index
        %get3A_383 = tpu.vector_load %arg12[%get3A_381, %get3A_382] {strides = array<i32>} : memref<80x128xf32, #tpu.memory_space<vmem>>, vector<16xf32>,
        %mul3A_384 = arith.mulf %get3A_152, %unpack3A_378 : vector<16xf32>
        %add3A_385 = arith.addf %get3A_383, %mul3A_384 : vector<16xf32>
        %select_n3A_386 = arith.select %eq3A_154, %mul3A_380, %add3A_385 : vector<16xf32>
        %swap3A_387 = arith.index_cast %scan3A_325 : i32 to index
        %swap3A_388 = arith.constant 64 : index
        %swap3A_389 = tpu.vector_load %arg12[%swap3A_387, %swap3A_388] {strides = array<i32>} : memref<80x128xf32, #tpu.memory_space<vmem>>, vector<16xf32>,
        tpu.vector_store %arg12[%swap3A_387, %swap3A_388], %select_n3A_386 {strides = array<i32>} : memref<80x128xf32, #tpu.memory_space<vmem>>, vector<16xf32>,
        %mul3A_390 = arith.mulf %get3A_152, %unpack3A_379 : vector<16xf32>
        %get3A_391 = arith.index_cast %scan3A_325 : i32 to index
        %get3A_392 = arith.constant 80 : index
        %get3A_393 = tpu.vector_load %arg12[%get3A_391, %get3A_392] {strides = array<i32>} : memref<80x128xf32, #tpu.memory_space<vmem>>, vector<16xf32>,
        %mul3A_394 = arith.mulf %get3A_152, %unpack3A_379 : vector<16xf32>
        %add3A_395 = arith.addf %get3A_393, %mul3A_394 : vector<16xf32>
        %select_n3A_396 = arith.select %eq3A_154, %mul3A_390, %add3A_395 : vector<16xf32>
        %swap3A_397 = arith.index_cast %scan3A_325 : i32 to index
        %swap3A_398 = arith.constant 80 : index
        %swap3A_399 = tpu.vector_load %arg12[%swap3A_397, %swap3A_398] {strides = array<i32>} : memref<80x128xf32, #tpu.memory_space<vmem>>, vector<16xf32>,
        tpu.vector_store %arg12[%swap3A_397, %swap3A_398], %select_n3A_396 {strides = array<i32>} : memref<80x128xf32, #tpu.memory_space<vmem>>, vector<16xf32>,
        %get3A_400 = arith.index_cast %scan3A_325 : i32 to index
        %get3A_401 = arith.constant 96 : index
        %get3A_402 = tpu.vector_load %arg9[%get3A_400, %get3A_401] {strides = array<i32>} : memref<80x128xbf16, #tpu.memory_space<vmem>>, vector<32xbf16>,
        %unpack3A_403 = tpu.unpack_subelements %get3A_402, 0 {pack_format = #tpu.pack_format<interleaved>} : vector<32xbf16> -> vector<16xf32>
        %unpack3A_404 = tpu.unpack_subelements %get3A_402, 1 {pack_format = #tpu.pack_format<interleaved>} : vector<32xbf16> -> vector<16xf32>
        %mul3A_405 = arith.mulf %get3A_152, %unpack3A_403 : vector<16xf32>
        %get3A_406 = arith.index_cast %scan3A_325 : i32 to index
        %get3A_407 = arith.constant 96 : index
        %get3A_408 = tpu.vector_load %arg12[%get3A_406, %get3A_407] {strides = array<i32>} : memref<80x128xf32, #tpu.memory_space<vmem>>, vector<16xf32>,
        %mul3A_409 = arith.mulf %get3A_152, %unpack3A_403 : vector<16xf32>
        %add3A_410 = arith.addf %get3A_408, %mul3A_409 : vector<16xf32>
        %select_n3A_411 = arith.select %eq3A_154, %mul3A_405, %add3A_410 : vector<16xf32>
        %swap3A_412 = arith.index_cast %scan3A_325 : i32 to index
        %swap3A_413 = arith.constant 96 : index
        %swap3A_414 = tpu.vector_load %arg12[%swap3A_412, %swap3A_413] {strides = array<i32>} : memref<80x128xf32, #tpu.memory_space<vmem>>, vector<16xf32>,
        tpu.vector_store %arg12[%swap3A_412, %swap3A_413], %select_n3A_411 {strides = array<i32>} : memref<80x128xf32, #tpu.memory_space<vmem>>, vector<16xf32>,
        %mul3A_415 = arith.mulf %get3A_152, %unpack3A_404 : vector<16xf32>
        %get3A_416 = arith.index_cast %scan3A_325 : i32 to index
        %get3A_417 = arith.constant 112 : index
        %get3A_418 = tpu.vector_load %arg12[%get3A_416, %get3A_417] {strides = array<i32>} : memref<80x128xf32, #tpu.memory_space<vmem>>, vector<16xf32>,
        %mul3A_419 = arith.mulf %get3A_152, %unpack3A_404 : vector<16xf32>
        %add3A_420 = arith.addf %get3A_418, %mul3A_419 : vector<16xf32>
        %select_n3A_421 = arith.select %eq3A_154, %mul3A_415, %add3A_420 : vector<16xf32>
        %swap3A_422 = arith.index_cast %scan3A_325 : i32 to index
        %swap3A_423 = arith.constant 112 : index
        %swap3A_424 = tpu.vector_load %arg12[%swap3A_422, %swap3A_423] {strides = array<i32>} : memref<80x128xf32, #tpu.memory_space<vmem>>, vector<16xf32>,
        tpu.vector_store %arg12[%swap3A_422, %swap3A_423], %select_n3A_421 {strides = array<i32>} : memref<80x128xf32, #tpu.memory_space<vmem>>, vector<16xf32>,
        %scan3A_425 = arith.constant 0 : i32
        scf.yield %scan3A_425 : i32
      }
      %scan3A_161 = arith.constant 80 : i32
      %add3A_162 = arith.constant 4 : i32
      %add3A_163 = arith.addi %add3A_102, %add3A_162 : i32
      %lt3A_164 = arith.constant 128 : i32
      %lt3A_165 = arith.cmpi slt, %add3A_163, %lt3A_164 : i32
      %convert_element_type3A_166 = arith.extui %lt3A_165 : i1 to i32
      %cond3A_167 = arith.constant 0 : i32
      %cond3A_168 = arith.cmpi ne, %convert_element_type3A_166, %cond3A_167 : i32
      scf.if %cond3A_168 {
        %add3A_325 = arith.constant 4 : i32
        %add3A_326 = arith.addi %add3A_102, %add3A_325 : i32
        %jit3A_327 = arith.constant 32 : i32
        %div3A_328 = arith.divsi %add3A_326, %jit3A_327 : i32
        %sign3A_329 = arith.constant 0 : i32
        %sign3A_330 = arith.cmpi sgt, %add3A_326, %sign3A_329 : i32
        %sign3A_331 = arith.extui %sign3A_330 : i1 to i32
        %sign3A_332 = arith.constant 0 : i32
        %sign3A_333 = arith.cmpi slt, %add3A_326, %sign3A_332 : i32
        %sign3A_334 = arith.extui %sign3A_333 : i1 to i32
        %sign3A_335 = arith.subi %sign3A_331, %sign3A_334 : i32
        %sign3A_336 = arith.constant 0 : i32
        %sign3A_337 = arith.cmpi sgt, %jit3A_327, %sign3A_336 : i32
        %sign3A_338 = arith.extui %sign3A_337 : i1 to i32
        %sign3A_339 = arith.constant 0 : i32
        %sign3A_340 = arith.cmpi slt, %jit3A_327, %sign3A_339 : i32
        %sign3A_341 = arith.extui %sign3A_340 : i1 to i32
        %sign3A_342 = arith.subi %sign3A_338, %sign3A_341 : i32
        %ne3A_343 = arith.cmpi ne, %sign3A_335, %sign3A_342 : i32
        %rem3A_344 = arith.remsi %add3A_326, %jit3A_327 : i32
        %ne3A_345 = arith.constant 0 : i32
        %ne3A_346 = arith.cmpi ne, %rem3A_344, %ne3A_345 : i32
        %and3A_347 = arith.andi %ne3A_343, %ne3A_346 : i1
        %sub3A_348 = arith.constant 1 : i32
        %sub3A_349 = arith.subi %div3A_328, %sub3A_348 : i32
        %select_n3A_350 = arith.select %and3A_347, %sub3A_349, %div3A_328 : i32
        %jit3A_351 = arith.constant 32 : i32
        %eq3A_352 = arith.constant 0 : i32
        %eq3A_353 = arith.cmpi eq, %jit3A_351, %eq3A_352 : i32
        %jit3A_354 = arith.constant 1 : i32
        %select_n3A_355 = arith.select %eq3A_353, %jit3A_354, %jit3A_351 : i32
        %rem3A_356 = arith.remsi %add3A_326, %select_n3A_355 : i32
        %ne3A_357 = arith.constant 0 : i32
        %ne3A_358 = arith.cmpi ne, %rem3A_356, %ne3A_357 : i32
        %lt3A_359 = arith.constant 0 : i32
        %lt3A_360 = arith.cmpi slt, %rem3A_356, %lt3A_359 : i32
        %lt3A_361 = arith.constant 0 : i32
        %lt3A_362 = arith.cmpi slt, %select_n3A_355, %lt3A_361 : i32
        %ne3A_363 = arith.xori %lt3A_360, %lt3A_362 : i1
        %and3A_364 = arith.andi %ne3A_363, %ne3A_358 : i1
        %add3A_365 = arith.addi %rem3A_356, %select_n3A_355 : i32
        %select_n3A_366 = arith.select %and3A_364, %add3A_365, %rem3A_356 : i32
        %mul3A_367 = arith.constant 80 : i32
        %mul3A_368 = arith.muli %select_n3A_350, %mul3A_367 : i32
        %dma_start3A_369 = tpu.memref_slice %arg6[%select_n3A_366, %mul3A_368] : memref<32x320xi32, #tpu.memory_space<vmem>> -> memref<1x80xi32, #tpu.memory_space<vmem>>
        %dma_start3A_370 = tpu.memref_squeeze %dma_start3A_369 : memref<1x80xi32, #tpu.memory_space<vmem>> -> memref<80xi32, #tpu.memory_space<vmem>>
        %dma_start3A_371 = arith.constant 0 : i32
        %dma_start3A_372 = arith.constant 0 : i32
        %dma_start3A_373 = tpu.memref_slice %arg2[%dma_start3A_371, %dma_start3A_372] : memref<20000x128xbf16, #tpu.memory_space<hbm>> -> memref<20000x128xbf16, #tpu.memory_space<hbm>>
        tpu.enqueue_indirect_dma source(%dma_start3A_373 : memref<20000x128xbf16, #tpu.memory_space<hbm>>) target(%arg9 : memref<80x128xbf16, #tpu.memory_space<vmem>>) offsets(%dma_start3A_370 : memref<80xi32, #tpu.memory_space<vmem>>) semaphore(%arg14 : memref<!tpu.dma_semaphore, #tpu.memory_space<semaphore_mem>>)
      } else {
      }
      %eq3A_169 = arith.constant 31 : i32
      %eq3A_170 = arith.cmpi eq, %select_n3A_142, %eq3A_169 : i32
      %convert_element_type3A_171 = arith.extui %eq3A_170 : i1 to i32
      %cond3A_172 = arith.constant 0 : i32
      %cond3A_173 = arith.cmpi ne, %convert_element_type3A_171, %cond3A_172 : i32
      scf.if %cond3A_173 {
        %get3A_325 = arith.constant 32 : i32
        %get3A_326 = arith.index_cast %get3A_325 : i32 to index
        %get3A_327 = arith.constant 0 : index
        %get3A_328 = tpu.vector_load %arg7[%get3A_326, %get3A_327] {strides = array<i32>} : memref<33x16xf32, #tpu.memory_space<vmem>>, vector<16xf32>,
        %scan3A_329 = arith.constant 0 : i32
        %scan3A_330 = arith.constant 0 : i32
        %scan3A_331 = arith.constant 80 : i32
        %scan3A_332 = arith.addi %scan3A_330, %scan3A_331 : i32
        %scan3A_333 = arith.constant 1 : i32
        %scan3A_334 = scf.for %scan3A_344 = %scan3A_330 to %scan3A_332 step %scan3A_333 iter_args(%scan3A_345 = %scan3A_329) -> (i32)  : i32 {
          %get3A_346 = arith.index_cast %scan3A_344 : i32 to index
          %get3A_347 = arith.constant 0 : index
          %get3A_348 = tpu.vector_load %arg12[%get3A_346, %get3A_347] {strides = array<i32>} : memref<80x128xf32, #tpu.memory_space<vmem>>, vector<16xf32>,
          %max3A = arith.constant 0.000000e+00 : f32
          %max3A_349 = vector.broadcast %max3A : f32 to vector<16xf32>
          %max3A_350 = arith.maximumf %get3A_348, %max3A_349 : vector<16xf32>
          %add3A_351 = arith.addf %max3A_350, %get3A_328 : vector<16xf32>
          %swap3A = arith.index_cast %scan3A_344 : i32 to index
          %swap3A_352 = arith.constant 0 : index
          %swap3A_353 = tpu.vector_load %arg12[%swap3A, %swap3A_352] {strides = array<i32>} : memref<80x128xf32, #tpu.memory_space<vmem>>, vector<16xf32>,
          tpu.vector_store %arg12[%swap3A, %swap3A_352], %add3A_351 {strides = array<i32>} : memref<80x128xf32, #tpu.memory_space<vmem>>, vector<16xf32>,
          %get3A_354 = arith.index_cast %scan3A_344 : i32 to index
          %get3A_355 = arith.constant 16 : index
          %get3A_356 = tpu.vector_load %arg12[%get3A_354, %get3A_355] {strides = array<i32>} : memref<80x128xf32, #tpu.memory_space<vmem>>, vector<16xf32>,
          %max3A_357 = arith.constant 0.000000e+00 : f32
          %max3A_358 = vector.broadcast %max3A_357 : f32 to vector<16xf32>
          %max3A_359 = arith.maximumf %get3A_356, %max3A_358 : vector<16xf32>
          %add3A_360 = arith.addf %max3A_359, %get3A_328 : vector<16xf32>
          %swap3A_361 = arith.index_cast %scan3A_344 : i32 to index
          %swap3A_362 = arith.constant 16 : index
          %swap3A_363 = tpu.vector_load %arg12[%swap3A_361, %swap3A_362] {strides = array<i32>} : memref<80x128xf32, #tpu.memory_space<vmem>>, vector<16xf32>,
          tpu.vector_store %arg12[%swap3A_361, %swap3A_362], %add3A_360 {strides = array<i32>} : memref<80x128xf32, #tpu.memory_space<vmem>>, vector<16xf32>,
          %get3A_364 = arith.index_cast %scan3A_344 : i32 to index
          %get3A_365 = arith.constant 32 : index
          %get3A_366 = tpu.vector_load %arg12[%get3A_364, %get3A_365] {strides = array<i32>} : memref<80x128xf32, #tpu.memory_space<vmem>>, vector<16xf32>,
          %max3A_367 = arith.constant 0.000000e+00 : f32
          %max3A_368 = vector.broadcast %max3A_367 : f32 to vector<16xf32>
          %max3A_369 = arith.maximumf %get3A_366, %max3A_368 : vector<16xf32>
          %add3A_370 = arith.addf %max3A_369, %get3A_328 : vector<16xf32>
          %swap3A_371 = arith.index_cast %scan3A_344 : i32 to index
          %swap3A_372 = arith.constant 32 : index
          %swap3A_373 = tpu.vector_load %arg12[%swap3A_371, %swap3A_372] {strides = array<i32>} : memref<80x128xf32, #tpu.memory_space<vmem>>, vector<16xf32>,
          tpu.vector_store %arg12[%swap3A_371, %swap3A_372], %add3A_370 {strides = array<i32>} : memref<80x128xf32, #tpu.memory_space<vmem>>, vector<16xf32>,
          %get3A_374 = arith.index_cast %scan3A_344 : i32 to index
          %get3A_375 = arith.constant 48 : index
          %get3A_376 = tpu.vector_load %arg12[%get3A_374, %get3A_375] {strides = array<i32>} : memref<80x128xf32, #tpu.memory_space<vmem>>, vector<16xf32>,
          %max3A_377 = arith.constant 0.000000e+00 : f32
          %max3A_378 = vector.broadcast %max3A_377 : f32 to vector<16xf32>
          %max3A_379 = arith.maximumf %get3A_376, %max3A_378 : vector<16xf32>
          %add3A_380 = arith.addf %max3A_379, %get3A_328 : vector<16xf32>
          %swap3A_381 = arith.index_cast %scan3A_344 : i32 to index
          %swap3A_382 = arith.constant 48 : index
          %swap3A_383 = tpu.vector_load %arg12[%swap3A_381, %swap3A_382] {strides = array<i32>} : memref<80x128xf32, #tpu.memory_space<vmem>>, vector<16xf32>,
          tpu.vector_store %arg12[%swap3A_381, %swap3A_382], %add3A_380 {strides = array<i32>} : memref<80x128xf32, #tpu.memory_space<vmem>>, vector<16xf32>,
          %get3A_384 = arith.index_cast %scan3A_344 : i32 to index
          %get3A_385 = arith.constant 64 : index
          %get3A_386 = tpu.vector_load %arg12[%get3A_384, %get3A_385] {strides = array<i32>} : memref<80x128xf32, #tpu.memory_space<vmem>>, vector<16xf32>,
          %max3A_387 = arith.constant 0.000000e+00 : f32
          %max3A_388 = vector.broadcast %max3A_387 : f32 to vector<16xf32>
          %max3A_389 = arith.maximumf %get3A_386, %max3A_388 : vector<16xf32>
          %add3A_390 = arith.addf %max3A_389, %get3A_328 : vector<16xf32>
          %swap3A_391 = arith.index_cast %scan3A_344 : i32 to index
          %swap3A_392 = arith.constant 64 : index
          %swap3A_393 = tpu.vector_load %arg12[%swap3A_391, %swap3A_392] {strides = array<i32>} : memref<80x128xf32, #tpu.memory_space<vmem>>, vector<16xf32>,
          tpu.vector_store %arg12[%swap3A_391, %swap3A_392], %add3A_390 {strides = array<i32>} : memref<80x128xf32, #tpu.memory_space<vmem>>, vector<16xf32>,
          %get3A_394 = arith.index_cast %scan3A_344 : i32 to index
          %get3A_395 = arith.constant 80 : index
          %get3A_396 = tpu.vector_load %arg12[%get3A_394, %get3A_395] {strides = array<i32>} : memref<80x128xf32, #tpu.memory_space<vmem>>, vector<16xf32>,
          %max3A_397 = arith.constant 0.000000e+00 : f32
          %max3A_398 = vector.broadcast %max3A_397 : f32 to vector<16xf32>
          %max3A_399 = arith.maximumf %get3A_396, %max3A_398 : vector<16xf32>
          %add3A_400 = arith.addf %max3A_399, %get3A_328 : vector<16xf32>
          %swap3A_401 = arith.index_cast %scan3A_344 : i32 to index
          %swap3A_402 = arith.constant 80 : index
          %swap3A_403 = tpu.vector_load %arg12[%swap3A_401, %swap3A_402] {strides = array<i32>} : memref<80x128xf32, #tpu.memory_space<vmem>>, vector<16xf32>,
          tpu.vector_store %arg12[%swap3A_401, %swap3A_402], %add3A_400 {strides = array<i32>} : memref<80x128xf32, #tpu.memory_space<vmem>>, vector<16xf32>,
          %get3A_404 = arith.index_cast %scan3A_344 : i32 to index
          %get3A_405 = arith.constant 96 : index
          %get3A_406 = tpu.vector_load %arg12[%get3A_404, %get3A_405] {strides = array<i32>} : memref<80x128xf32, #tpu.memory_space<vmem>>, vector<16xf32>,
          %max3A_407 = arith.constant 0.000000e+00 : f32
          %max3A_408 = vector.broadcast %max3A_407 : f32 to vector<16xf32>
          %max3A_409 = arith.maximumf %get3A_406, %max3A_408 : vector<16xf32>
          %add3A_410 = arith.addf %max3A_409, %get3A_328 : vector<16xf32>
          %swap3A_411 = arith.index_cast %scan3A_344 : i32 to index
          %swap3A_412 = arith.constant 96 : index
          %swap3A_413 = tpu.vector_load %arg12[%swap3A_411, %swap3A_412] {strides = array<i32>} : memref<80x128xf32, #tpu.memory_space<vmem>>, vector<16xf32>,
          tpu.vector_store %arg12[%swap3A_411, %swap3A_412], %add3A_410 {strides = array<i32>} : memref<80x128xf32, #tpu.memory_space<vmem>>, vector<16xf32>,
          %get3A_414 = arith.index_cast %scan3A_344 : i32 to index
          %get3A_415 = arith.constant 112 : index
          %get3A_416 = tpu.vector_load %arg12[%get3A_414, %get3A_415] {strides = array<i32>} : memref<80x128xf32, #tpu.memory_space<vmem>>, vector<16xf32>,
          %max3A_417 = arith.constant 0.000000e+00 : f32
          %max3A_418 = vector.broadcast %max3A_417 : f32 to vector<16xf32>
          %max3A_419 = arith.maximumf %get3A_416, %max3A_418 : vector<16xf32>
          %add3A_420 = arith.addf %max3A_419, %get3A_328 : vector<16xf32>
          %swap3A_421 = arith.index_cast %scan3A_344 : i32 to index
          %swap3A_422 = arith.constant 112 : index
          %swap3A_423 = tpu.vector_load %arg12[%swap3A_421, %swap3A_422] {strides = array<i32>} : memref<80x128xf32, #tpu.memory_space<vmem>>, vector<16xf32>,
          tpu.vector_store %arg12[%swap3A_421, %swap3A_422], %add3A_420 {strides = array<i32>} : memref<80x128xf32, #tpu.memory_space<vmem>>, vector<16xf32>,
          %scan3A_424 = arith.constant 0 : i32
          scf.yield %scan3A_424 : i32
        }
        %scan3A_335 = arith.constant 80 : i32
        %mul3A_336 = arith.constant 80 : i32
        %mul3A_337 = arith.muli %select_n3A_126, %mul3A_336 : i32
        %add3A_338 = arith.addi %mul3A_2, %mul3A_337 : i32
        %lt3A_339 = arith.constant 10000 : i32
        %lt3A_340 = arith.cmpi slt, %add3A_338, %lt3A_339 : i32
        %convert_element_type3A_341 = arith.extui %lt3A_340 : i1 to i32
        %cond3A_342 = arith.constant 0 : i32
        %cond3A_343 = arith.cmpi ne, %convert_element_type3A_341, %cond3A_342 : i32
        scf.if %cond3A_343 {
          "tpu.region"() ({
            %run_scoped3A = tpu.sem_alloc : memref<!tpu.dma_semaphore, #tpu.memory_space<semaphore_mem>>
            %dma_start3A_344 = arith.constant 0 : i32
            %dma_start3A_345 = tpu.memref_slice %arg5[%add3A_338, %dma_start3A_344] : memref<10000x128xf32, #tpu.memory_space<hbm>> -> memref<80x128xf32, #tpu.memory_space<hbm>>
            %dma_start3A_346 = arith.constant 0 : i32
            %dma_start3A_347 = tpu.memref_slice %arg5[%add3A_338, %dma_start3A_346] : memref<10000x128xf32, #tpu.memory_space<hbm>> -> memref<80x128xf32, #tpu.memory_space<hbm>>
            tpu.enqueue_dma source(%arg12 : memref<80x128xf32, #tpu.memory_space<vmem>>) target(%dma_start3A_347 : memref<80x128xf32, #tpu.memory_space<hbm>>) target_semaphore(%run_scoped3A : memref<!tpu.dma_semaphore, #tpu.memory_space<semaphore_mem>>)
            %dma_wait3A_348 = arith.constant 0 : i32
            %dma_wait3A_349 = tpu.memref_slice %arg5[%add3A_338, %dma_wait3A_348] : memref<10000x128xf32, #tpu.memory_space<hbm>> -> memref<80x128xf32, #tpu.memory_space<hbm>>
            %dma_wait3A_350 = arith.constant 0 : i32
            %dma_wait3A_351 = tpu.memref_slice %arg5[%add3A_338, %dma_wait3A_350] : memref<10000x128xf32, #tpu.memory_space<hbm>> -> memref<80x128xf32, #tpu.memory_space<hbm>>
            tpu.wait_dma2 semaphore(%run_scoped3A : memref<!tpu.dma_semaphore, #tpu.memory_space<semaphore_mem>>) src(%arg12 : memref<80x128xf32, #tpu.memory_space<vmem>>) dst(%dma_wait3A_351 : memref<80x128xf32, #tpu.memory_space<hbm>>)
            tpu.yield
          }) : () -> ()
        } else {
        }
      } else {
      }
      %mul3A_174 = arith.constant 4 : i32
      %mul3A_175 = arith.muli %scan3A_36, %mul3A_174 : i32
      %add3A_176 = arith.constant 2 : i32
      %add3A_177 = arith.addi %mul3A_175, %add3A_176 : i32
      %jit3A_178 = arith.constant 32 : i32
      %div3A_179 = arith.divsi %add3A_177, %jit3A_178 : i32
      %sign3A_180 = arith.constant 0 : i32
      %sign3A_181 = arith.cmpi sgt, %add3A_177, %sign3A_180 : i32
      %sign3A_182 = arith.extui %sign3A_181 : i1 to i32
      %sign3A_183 = arith.constant 0 : i32
      %sign3A_184 = arith.cmpi slt, %add3A_177, %sign3A_183 : i32
      %sign3A_185 = arith.extui %sign3A_184 : i1 to i32
      %sign3A_186 = arith.subi %sign3A_182, %sign3A_185 : i32
      %sign3A_187 = arith.constant 0 : i32
      %sign3A_188 = arith.cmpi sgt, %jit3A_178, %sign3A_187 : i32
      %sign3A_189 = arith.extui %sign3A_188 : i1 to i32
      %sign3A_190 = arith.constant 0 : i32
      %sign3A_191 = arith.cmpi slt, %jit3A_178, %sign3A_190 : i32
      %sign3A_192 = arith.extui %sign3A_191 : i1 to i32
      %sign3A_193 = arith.subi %sign3A_189, %sign3A_192 : i32
      %ne3A_194 = arith.cmpi ne, %sign3A_186, %sign3A_193 : i32
      %rem3A_195 = arith.remsi %add3A_177, %jit3A_178 : i32
      %ne3A_196 = arith.constant 0 : i32
      %ne3A_197 = arith.cmpi ne, %rem3A_195, %ne3A_196 : i32
      %and3A_198 = arith.andi %ne3A_194, %ne3A_197 : i1
      %sub3A_199 = arith.constant 1 : i32
      %sub3A_200 = arith.subi %div3A_179, %sub3A_199 : i32
      %select_n3A_201 = arith.select %and3A_198, %sub3A_200, %div3A_179 : i32
      %jit3A_202 = arith.constant 32 : i32
      %eq3A_203 = arith.constant 0 : i32
      %eq3A_204 = arith.cmpi eq, %jit3A_202, %eq3A_203 : i32
      %jit3A_205 = arith.constant 1 : i32
      %select_n3A_206 = arith.select %eq3A_204, %jit3A_205, %jit3A_202 : i32
      %rem3A_207 = arith.remsi %add3A_177, %select_n3A_206 : i32
      %ne3A_208 = arith.constant 0 : i32
      %ne3A_209 = arith.cmpi ne, %rem3A_207, %ne3A_208 : i32
      %lt3A_210 = arith.constant 0 : i32
      %lt3A_211 = arith.cmpi slt, %rem3A_207, %lt3A_210 : i32
      %lt3A_212 = arith.constant 0 : i32
      %lt3A_213 = arith.cmpi slt, %select_n3A_206, %lt3A_212 : i32
      %ne3A_214 = arith.xori %lt3A_211, %lt3A_213 : i1
      %and3A_215 = arith.andi %ne3A_214, %ne3A_209 : i1
      %add3A_216 = arith.addi %rem3A_207, %select_n3A_206 : i32
      %select_n3A_217 = arith.select %and3A_215, %add3A_216, %rem3A_207 : i32
      %dma_wait3A_218 = arith.constant 0 : i32
      %dma_wait3A_219 = arith.constant 0 : i32
      %dma_wait3A_220 = tpu.memref_slice %arg6[%dma_wait3A_218, %dma_wait3A_219] : memref<32x320xi32, #tpu.memory_space<vmem>> -> memref<1x80xi32, #tpu.memory_space<vmem>>
      %dma_wait3A_221 = tpu.memref_squeeze %dma_wait3A_220 : memref<1x80xi32, #tpu.memory_space<vmem>> -> memref<80xi32, #tpu.memory_space<vmem>>
      %dma_wait3A_222 = arith.constant 0 : i32
      %dma_wait3A_223 = arith.constant 0 : i32
      %dma_wait3A_224 = tpu.memref_slice %arg2[%dma_wait3A_222, %dma_wait3A_223] : memref<20000x128xbf16, #tpu.memory_space<hbm>> -> memref<20000x128xbf16, #tpu.memory_space<hbm>>
      tpu.wait_indirect_dma semaphore(%arg15 : memref<!tpu.dma_semaphore, #tpu.memory_space<semaphore_mem>>) src(%dma_wait3A_224 : memref<20000x128xbf16, #tpu.memory_space<hbm>>) dst(%arg10 : memref<80x128xbf16, #tpu.memory_space<vmem>>)
      %get3A_225 = arith.index_cast %select_n3A_217 : i32 to index
      %get3A_226 = arith.constant 0 : index
      %get3A_227 = tpu.vector_load %arg7[%get3A_225, %get3A_226] {strides = array<i32>} : memref<33x16xf32, #tpu.memory_space<vmem>>, vector<16xf32>,
      %eq3A_228 = arith.constant 0 : i32
      %eq3A_229 = arith.cmpi eq, %select_n3A_217, %eq3A_228 : i32
      %scan3A_230 = arith.constant 0 : i32
      %scan3A_231 = arith.constant 0 : i32
      %scan3A_232 = arith.constant 80 : i32
      %scan3A_233 = arith.addi %scan3A_231, %scan3A_232 : i32
      %scan3A_234 = arith.constant 1 : i32
      %scan3A_235 = scf.for %scan3A_325 = %scan3A_231 to %scan3A_233 step %scan3A_234 iter_args(%scan3A_326 = %scan3A_230) -> (i32)  : i32 {
        %get3A_327 = arith.index_cast %scan3A_325 : i32 to index
        %get3A_328 = arith.constant 0 : index
        %get3A_329 = tpu.vector_load %arg10[%get3A_327, %get3A_328] {strides = array<i32>} : memref<80x128xbf16, #tpu.memory_space<vmem>>, vector<32xbf16>,
        %unpack3A = tpu.unpack_subelements %get3A_329, 0 {pack_format = #tpu.pack_format<interleaved>} : vector<32xbf16> -> vector<16xf32>
        %unpack3A_330 = tpu.unpack_subelements %get3A_329, 1 {pack_format = #tpu.pack_format<interleaved>} : vector<32xbf16> -> vector<16xf32>
        %mul3A_331 = arith.mulf %get3A_227, %unpack3A : vector<16xf32>
        %get3A_332 = arith.index_cast %scan3A_325 : i32 to index
        %get3A_333 = arith.constant 0 : index
        %get3A_334 = tpu.vector_load %arg12[%get3A_332, %get3A_333] {strides = array<i32>} : memref<80x128xf32, #tpu.memory_space<vmem>>, vector<16xf32>,
        %mul3A_335 = arith.mulf %get3A_227, %unpack3A : vector<16xf32>
        %add3A_336 = arith.addf %get3A_334, %mul3A_335 : vector<16xf32>
        %select_n3A_337 = arith.select %eq3A_229, %mul3A_331, %add3A_336 : vector<16xf32>
        %swap3A = arith.index_cast %scan3A_325 : i32 to index
        %swap3A_338 = arith.constant 0 : index
        %swap3A_339 = tpu.vector_load %arg12[%swap3A, %swap3A_338] {strides = array<i32>} : memref<80x128xf32, #tpu.memory_space<vmem>>, vector<16xf32>,
        tpu.vector_store %arg12[%swap3A, %swap3A_338], %select_n3A_337 {strides = array<i32>} : memref<80x128xf32, #tpu.memory_space<vmem>>, vector<16xf32>,
        %mul3A_340 = arith.mulf %get3A_227, %unpack3A_330 : vector<16xf32>
        %get3A_341 = arith.index_cast %scan3A_325 : i32 to index
        %get3A_342 = arith.constant 16 : index
        %get3A_343 = tpu.vector_load %arg12[%get3A_341, %get3A_342] {strides = array<i32>} : memref<80x128xf32, #tpu.memory_space<vmem>>, vector<16xf32>,
        %mul3A_344 = arith.mulf %get3A_227, %unpack3A_330 : vector<16xf32>
        %add3A_345 = arith.addf %get3A_343, %mul3A_344 : vector<16xf32>
        %select_n3A_346 = arith.select %eq3A_229, %mul3A_340, %add3A_345 : vector<16xf32>
        %swap3A_347 = arith.index_cast %scan3A_325 : i32 to index
        %swap3A_348 = arith.constant 16 : index
        %swap3A_349 = tpu.vector_load %arg12[%swap3A_347, %swap3A_348] {strides = array<i32>} : memref<80x128xf32, #tpu.memory_space<vmem>>, vector<16xf32>,
        tpu.vector_store %arg12[%swap3A_347, %swap3A_348], %select_n3A_346 {strides = array<i32>} : memref<80x128xf32, #tpu.memory_space<vmem>>, vector<16xf32>,
        %get3A_350 = arith.index_cast %scan3A_325 : i32 to index
        %get3A_351 = arith.constant 32 : index
        %get3A_352 = tpu.vector_load %arg10[%get3A_350, %get3A_351] {strides = array<i32>} : memref<80x128xbf16, #tpu.memory_space<vmem>>, vector<32xbf16>,
        %unpack3A_353 = tpu.unpack_subelements %get3A_352, 0 {pack_format = #tpu.pack_format<interleaved>} : vector<32xbf16> -> vector<16xf32>
        %unpack3A_354 = tpu.unpack_subelements %get3A_352, 1 {pack_format = #tpu.pack_format<interleaved>} : vector<32xbf16> -> vector<16xf32>
        %mul3A_355 = arith.mulf %get3A_227, %unpack3A_353 : vector<16xf32>
        %get3A_356 = arith.index_cast %scan3A_325 : i32 to index
        %get3A_357 = arith.constant 32 : index
        %get3A_358 = tpu.vector_load %arg12[%get3A_356, %get3A_357] {strides = array<i32>} : memref<80x128xf32, #tpu.memory_space<vmem>>, vector<16xf32>,
        %mul3A_359 = arith.mulf %get3A_227, %unpack3A_353 : vector<16xf32>
        %add3A_360 = arith.addf %get3A_358, %mul3A_359 : vector<16xf32>
        %select_n3A_361 = arith.select %eq3A_229, %mul3A_355, %add3A_360 : vector<16xf32>
        %swap3A_362 = arith.index_cast %scan3A_325 : i32 to index
        %swap3A_363 = arith.constant 32 : index
        %swap3A_364 = tpu.vector_load %arg12[%swap3A_362, %swap3A_363] {strides = array<i32>} : memref<80x128xf32, #tpu.memory_space<vmem>>, vector<16xf32>,
        tpu.vector_store %arg12[%swap3A_362, %swap3A_363], %select_n3A_361 {strides = array<i32>} : memref<80x128xf32, #tpu.memory_space<vmem>>, vector<16xf32>,
        %mul3A_365 = arith.mulf %get3A_227, %unpack3A_354 : vector<16xf32>
        %get3A_366 = arith.index_cast %scan3A_325 : i32 to index
        %get3A_367 = arith.constant 48 : index
        %get3A_368 = tpu.vector_load %arg12[%get3A_366, %get3A_367] {strides = array<i32>} : memref<80x128xf32, #tpu.memory_space<vmem>>, vector<16xf32>,
        %mul3A_369 = arith.mulf %get3A_227, %unpack3A_354 : vector<16xf32>
        %add3A_370 = arith.addf %get3A_368, %mul3A_369 : vector<16xf32>
        %select_n3A_371 = arith.select %eq3A_229, %mul3A_365, %add3A_370 : vector<16xf32>
        %swap3A_372 = arith.index_cast %scan3A_325 : i32 to index
        %swap3A_373 = arith.constant 48 : index
        %swap3A_374 = tpu.vector_load %arg12[%swap3A_372, %swap3A_373] {strides = array<i32>} : memref<80x128xf32, #tpu.memory_space<vmem>>, vector<16xf32>,
        tpu.vector_store %arg12[%swap3A_372, %swap3A_373], %select_n3A_371 {strides = array<i32>} : memref<80x128xf32, #tpu.memory_space<vmem>>, vector<16xf32>,
        %get3A_375 = arith.index_cast %scan3A_325 : i32 to index
        %get3A_376 = arith.constant 64 : index
        %get3A_377 = tpu.vector_load %arg10[%get3A_375, %get3A_376] {strides = array<i32>} : memref<80x128xbf16, #tpu.memory_space<vmem>>, vector<32xbf16>,
        %unpack3A_378 = tpu.unpack_subelements %get3A_377, 0 {pack_format = #tpu.pack_format<interleaved>} : vector<32xbf16> -> vector<16xf32>
        %unpack3A_379 = tpu.unpack_subelements %get3A_377, 1 {pack_format = #tpu.pack_format<interleaved>} : vector<32xbf16> -> vector<16xf32>
        %mul3A_380 = arith.mulf %get3A_227, %unpack3A_378 : vector<16xf32>
        %get3A_381 = arith.index_cast %scan3A_325 : i32 to index
        %get3A_382 = arith.constant 64 : index
        %get3A_383 = tpu.vector_load %arg12[%get3A_381, %get3A_382] {strides = array<i32>} : memref<80x128xf32, #tpu.memory_space<vmem>>, vector<16xf32>,
        %mul3A_384 = arith.mulf %get3A_227, %unpack3A_378 : vector<16xf32>
        %add3A_385 = arith.addf %get3A_383, %mul3A_384 : vector<16xf32>
        %select_n3A_386 = arith.select %eq3A_229, %mul3A_380, %add3A_385 : vector<16xf32>
        %swap3A_387 = arith.index_cast %scan3A_325 : i32 to index
        %swap3A_388 = arith.constant 64 : index
        %swap3A_389 = tpu.vector_load %arg12[%swap3A_387, %swap3A_388] {strides = array<i32>} : memref<80x128xf32, #tpu.memory_space<vmem>>, vector<16xf32>,
        tpu.vector_store %arg12[%swap3A_387, %swap3A_388], %select_n3A_386 {strides = array<i32>} : memref<80x128xf32, #tpu.memory_space<vmem>>, vector<16xf32>,
        %mul3A_390 = arith.mulf %get3A_227, %unpack3A_379 : vector<16xf32>
        %get3A_391 = arith.index_cast %scan3A_325 : i32 to index
        %get3A_392 = arith.constant 80 : index
        %get3A_393 = tpu.vector_load %arg12[%get3A_391, %get3A_392] {strides = array<i32>} : memref<80x128xf32, #tpu.memory_space<vmem>>, vector<16xf32>,
        %mul3A_394 = arith.mulf %get3A_227, %unpack3A_379 : vector<16xf32>
        %add3A_395 = arith.addf %get3A_393, %mul3A_394 : vector<16xf32>
        %select_n3A_396 = arith.select %eq3A_229, %mul3A_390, %add3A_395 : vector<16xf32>
        %swap3A_397 = arith.index_cast %scan3A_325 : i32 to index
        %swap3A_398 = arith.constant 80 : index
        %swap3A_399 = tpu.vector_load %arg12[%swap3A_397, %swap3A_398] {strides = array<i32>} : memref<80x128xf32, #tpu.memory_space<vmem>>, vector<16xf32>,
        tpu.vector_store %arg12[%swap3A_397, %swap3A_398], %select_n3A_396 {strides = array<i32>} : memref<80x128xf32, #tpu.memory_space<vmem>>, vector<16xf32>,
        %get3A_400 = arith.index_cast %scan3A_325 : i32 to index
        %get3A_401 = arith.constant 96 : index
        %get3A_402 = tpu.vector_load %arg10[%get3A_400, %get3A_401] {strides = array<i32>} : memref<80x128xbf16, #tpu.memory_space<vmem>>, vector<32xbf16>,
        %unpack3A_403 = tpu.unpack_subelements %get3A_402, 0 {pack_format = #tpu.pack_format<interleaved>} : vector<32xbf16> -> vector<16xf32>
        %unpack3A_404 = tpu.unpack_subelements %get3A_402, 1 {pack_format = #tpu.pack_format<interleaved>} : vector<32xbf16> -> vector<16xf32>
        %mul3A_405 = arith.mulf %get3A_227, %unpack3A_403 : vector<16xf32>
        %get3A_406 = arith.index_cast %scan3A_325 : i32 to index
        %get3A_407 = arith.constant 96 : index
        %get3A_408 = tpu.vector_load %arg12[%get3A_406, %get3A_407] {strides = array<i32>} : memref<80x128xf32, #tpu.memory_space<vmem>>, vector<16xf32>,
        %mul3A_409 = arith.mulf %get3A_227, %unpack3A_403 : vector<16xf32>
        %add3A_410 = arith.addf %get3A_408, %mul3A_409 : vector<16xf32>
        %select_n3A_411 = arith.select %eq3A_229, %mul3A_405, %add3A_410 : vector<16xf32>
        %swap3A_412 = arith.index_cast %scan3A_325 : i32 to index
        %swap3A_413 = arith.constant 96 : index
        %swap3A_414 = tpu.vector_load %arg12[%swap3A_412, %swap3A_413] {strides = array<i32>} : memref<80x128xf32, #tpu.memory_space<vmem>>, vector<16xf32>,
        tpu.vector_store %arg12[%swap3A_412, %swap3A_413], %select_n3A_411 {strides = array<i32>} : memref<80x128xf32, #tpu.memory_space<vmem>>, vector<16xf32>,
        %mul3A_415 = arith.mulf %get3A_227, %unpack3A_404 : vector<16xf32>
        %get3A_416 = arith.index_cast %scan3A_325 : i32 to index
        %get3A_417 = arith.constant 112 : index
        %get3A_418 = tpu.vector_load %arg12[%get3A_416, %get3A_417] {strides = array<i32>} : memref<80x128xf32, #tpu.memory_space<vmem>>, vector<16xf32>,
        %mul3A_419 = arith.mulf %get3A_227, %unpack3A_404 : vector<16xf32>
        %add3A_420 = arith.addf %get3A_418, %mul3A_419 : vector<16xf32>
        %select_n3A_421 = arith.select %eq3A_229, %mul3A_415, %add3A_420 : vector<16xf32>
        %swap3A_422 = arith.index_cast %scan3A_325 : i32 to index
        %swap3A_423 = arith.constant 112 : index
        %swap3A_424 = tpu.vector_load %arg12[%swap3A_422, %swap3A_423] {strides = array<i32>} : memref<80x128xf32, #tpu.memory_space<vmem>>, vector<16xf32>,
        tpu.vector_store %arg12[%swap3A_422, %swap3A_423], %select_n3A_421 {strides = array<i32>} : memref<80x128xf32, #tpu.memory_space<vmem>>, vector<16xf32>,
        %scan3A_425 = arith.constant 0 : i32
        scf.yield %scan3A_425 : i32
      }
      %scan3A_236 = arith.constant 80 : i32
      %add3A_237 = arith.constant 4 : i32
      %add3A_238 = arith.addi %add3A_177, %add3A_237 : i32
      %lt3A_239 = arith.constant 128 : i32
      %lt3A_240 = arith.cmpi slt, %add3A_238, %lt3A_239 : i32
      %convert_element_type3A_241 = arith.extui %lt3A_240 : i1 to i32
      %cond3A_242 = arith.constant 0 : i32
      %cond3A_243 = arith.cmpi ne, %convert_element_type3A_241, %cond3A_242 : i32
      scf.if %cond3A_243 {
        %add3A_325 = arith.constant 4 : i32
        %add3A_326 = arith.addi %add3A_177, %add3A_325 : i32
        %jit3A_327 = arith.constant 32 : i32
        %div3A_328 = arith.divsi %add3A_326, %jit3A_327 : i32
        %sign3A_329 = arith.constant 0 : i32
        %sign3A_330 = arith.cmpi sgt, %add3A_326, %sign3A_329 : i32
        %sign3A_331 = arith.extui %sign3A_330 : i1 to i32
        %sign3A_332 = arith.constant 0 : i32
        %sign3A_333 = arith.cmpi slt, %add3A_326, %sign3A_332 : i32
        %sign3A_334 = arith.extui %sign3A_333 : i1 to i32
        %sign3A_335 = arith.subi %sign3A_331, %sign3A_334 : i32
        %sign3A_336 = arith.constant 0 : i32
        %sign3A_337 = arith.cmpi sgt, %jit3A_327, %sign3A_336 : i32
        %sign3A_338 = arith.extui %sign3A_337 : i1 to i32
        %sign3A_339 = arith.constant 0 : i32
        %sign3A_340 = arith.cmpi slt, %jit3A_327, %sign3A_339 : i32
        %sign3A_341 = arith.extui %sign3A_340 : i1 to i32
        %sign3A_342 = arith.subi %sign3A_338, %sign3A_341 : i32
        %ne3A_343 = arith.cmpi ne, %sign3A_335, %sign3A_342 : i32
        %rem3A_344 = arith.remsi %add3A_326, %jit3A_327 : i32
        %ne3A_345 = arith.constant 0 : i32
        %ne3A_346 = arith.cmpi ne, %rem3A_344, %ne3A_345 : i32
        %and3A_347 = arith.andi %ne3A_343, %ne3A_346 : i1
        %sub3A_348 = arith.constant 1 : i32
        %sub3A_349 = arith.subi %div3A_328, %sub3A_348 : i32
        %select_n3A_350 = arith.select %and3A_347, %sub3A_349, %div3A_328 : i32
        %jit3A_351 = arith.constant 32 : i32
        %eq3A_352 = arith.constant 0 : i32
        %eq3A_353 = arith.cmpi eq, %jit3A_351, %eq3A_352 : i32
        %jit3A_354 = arith.constant 1 : i32
        %select_n3A_355 = arith.select %eq3A_353, %jit3A_354, %jit3A_351 : i32
        %rem3A_356 = arith.remsi %add3A_326, %select_n3A_355 : i32
        %ne3A_357 = arith.constant 0 : i32
        %ne3A_358 = arith.cmpi ne, %rem3A_356, %ne3A_357 : i32
        %lt3A_359 = arith.constant 0 : i32
        %lt3A_360 = arith.cmpi slt, %rem3A_356, %lt3A_359 : i32
        %lt3A_361 = arith.constant 0 : i32
        %lt3A_362 = arith.cmpi slt, %select_n3A_355, %lt3A_361 : i32
        %ne3A_363 = arith.xori %lt3A_360, %lt3A_362 : i1
        %and3A_364 = arith.andi %ne3A_363, %ne3A_358 : i1
        %add3A_365 = arith.addi %rem3A_356, %select_n3A_355 : i32
        %select_n3A_366 = arith.select %and3A_364, %add3A_365, %rem3A_356 : i32
        %mul3A_367 = arith.constant 80 : i32
        %mul3A_368 = arith.muli %select_n3A_350, %mul3A_367 : i32
        %dma_start3A_369 = tpu.memref_slice %arg6[%select_n3A_366, %mul3A_368] : memref<32x320xi32, #tpu.memory_space<vmem>> -> memref<1x80xi32, #tpu.memory_space<vmem>>
        %dma_start3A_370 = tpu.memref_squeeze %dma_start3A_369 : memref<1x80xi32, #tpu.memory_space<vmem>> -> memref<80xi32, #tpu.memory_space<vmem>>
        %dma_start3A_371 = arith.constant 0 : i32
        %dma_start3A_372 = arith.constant 0 : i32
        %dma_start3A_373 = tpu.memref_slice %arg2[%dma_start3A_371, %dma_start3A_372] : memref<20000x128xbf16, #tpu.memory_space<hbm>> -> memref<20000x128xbf16, #tpu.memory_space<hbm>>
        tpu.enqueue_indirect_dma source(%dma_start3A_373 : memref<20000x128xbf16, #tpu.memory_space<hbm>>) target(%arg10 : memref<80x128xbf16, #tpu.memory_space<vmem>>) offsets(%dma_start3A_370 : memref<80xi32, #tpu.memory_space<vmem>>) semaphore(%arg15 : memref<!tpu.dma_semaphore, #tpu.memory_space<semaphore_mem>>)
      } else {
      }
      %eq3A_244 = arith.constant 31 : i32
      %eq3A_245 = arith.cmpi eq, %select_n3A_217, %eq3A_244 : i32
      %convert_element_type3A_246 = arith.extui %eq3A_245 : i1 to i32
      %cond3A_247 = arith.constant 0 : i32
      %cond3A_248 = arith.cmpi ne, %convert_element_type3A_246, %cond3A_247 : i32
      scf.if %cond3A_248 {
        %get3A_325 = arith.constant 32 : i32
        %get3A_326 = arith.index_cast %get3A_325 : i32 to index
        %get3A_327 = arith.constant 0 : index
        %get3A_328 = tpu.vector_load %arg7[%get3A_326, %get3A_327] {strides = array<i32>} : memref<33x16xf32, #tpu.memory_space<vmem>>, vector<16xf32>,
        %scan3A_329 = arith.constant 0 : i32
        %scan3A_330 = arith.constant 0 : i32
        %scan3A_331 = arith.constant 80 : i32
        %scan3A_332 = arith.addi %scan3A_330, %scan3A_331 : i32
        %scan3A_333 = arith.constant 1 : i32
        %scan3A_334 = scf.for %scan3A_344 = %scan3A_330 to %scan3A_332 step %scan3A_333 iter_args(%scan3A_345 = %scan3A_329) -> (i32)  : i32 {
          %get3A_346 = arith.index_cast %scan3A_344 : i32 to index
          %get3A_347 = arith.constant 0 : index
          %get3A_348 = tpu.vector_load %arg12[%get3A_346, %get3A_347] {strides = array<i32>} : memref<80x128xf32, #tpu.memory_space<vmem>>, vector<16xf32>,
          %max3A = arith.constant 0.000000e+00 : f32
          %max3A_349 = vector.broadcast %max3A : f32 to vector<16xf32>
          %max3A_350 = arith.maximumf %get3A_348, %max3A_349 : vector<16xf32>
          %add3A_351 = arith.addf %max3A_350, %get3A_328 : vector<16xf32>
          %swap3A = arith.index_cast %scan3A_344 : i32 to index
          %swap3A_352 = arith.constant 0 : index
          %swap3A_353 = tpu.vector_load %arg12[%swap3A, %swap3A_352] {strides = array<i32>} : memref<80x128xf32, #tpu.memory_space<vmem>>, vector<16xf32>,
          tpu.vector_store %arg12[%swap3A, %swap3A_352], %add3A_351 {strides = array<i32>} : memref<80x128xf32, #tpu.memory_space<vmem>>, vector<16xf32>,
          %get3A_354 = arith.index_cast %scan3A_344 : i32 to index
          %get3A_355 = arith.constant 16 : index
          %get3A_356 = tpu.vector_load %arg12[%get3A_354, %get3A_355] {strides = array<i32>} : memref<80x128xf32, #tpu.memory_space<vmem>>, vector<16xf32>,
          %max3A_357 = arith.constant 0.000000e+00 : f32
          %max3A_358 = vector.broadcast %max3A_357 : f32 to vector<16xf32>
          %max3A_359 = arith.maximumf %get3A_356, %max3A_358 : vector<16xf32>
          %add3A_360 = arith.addf %max3A_359, %get3A_328 : vector<16xf32>
          %swap3A_361 = arith.index_cast %scan3A_344 : i32 to index
          %swap3A_362 = arith.constant 16 : index
          %swap3A_363 = tpu.vector_load %arg12[%swap3A_361, %swap3A_362] {strides = array<i32>} : memref<80x128xf32, #tpu.memory_space<vmem>>, vector<16xf32>,
          tpu.vector_store %arg12[%swap3A_361, %swap3A_362], %add3A_360 {strides = array<i32>} : memref<80x128xf32, #tpu.memory_space<vmem>>, vector<16xf32>,
          %get3A_364 = arith.index_cast %scan3A_344 : i32 to index
          %get3A_365 = arith.constant 32 : index
          %get3A_366 = tpu.vector_load %arg12[%get3A_364, %get3A_365] {strides = array<i32>} : memref<80x128xf32, #tpu.memory_space<vmem>>, vector<16xf32>,
          %max3A_367 = arith.constant 0.000000e+00 : f32
          %max3A_368 = vector.broadcast %max3A_367 : f32 to vector<16xf32>
          %max3A_369 = arith.maximumf %get3A_366, %max3A_368 : vector<16xf32>
          %add3A_370 = arith.addf %max3A_369, %get3A_328 : vector<16xf32>
          %swap3A_371 = arith.index_cast %scan3A_344 : i32 to index
          %swap3A_372 = arith.constant 32 : index
          %swap3A_373 = tpu.vector_load %arg12[%swap3A_371, %swap3A_372] {strides = array<i32>} : memref<80x128xf32, #tpu.memory_space<vmem>>, vector<16xf32>,
          tpu.vector_store %arg12[%swap3A_371, %swap3A_372], %add3A_370 {strides = array<i32>} : memref<80x128xf32, #tpu.memory_space<vmem>>, vector<16xf32>,
          %get3A_374 = arith.index_cast %scan3A_344 : i32 to index
          %get3A_375 = arith.constant 48 : index
          %get3A_376 = tpu.vector_load %arg12[%get3A_374, %get3A_375] {strides = array<i32>} : memref<80x128xf32, #tpu.memory_space<vmem>>, vector<16xf32>,
          %max3A_377 = arith.constant 0.000000e+00 : f32
          %max3A_378 = vector.broadcast %max3A_377 : f32 to vector<16xf32>
          %max3A_379 = arith.maximumf %get3A_376, %max3A_378 : vector<16xf32>
          %add3A_380 = arith.addf %max3A_379, %get3A_328 : vector<16xf32>
          %swap3A_381 = arith.index_cast %scan3A_344 : i32 to index
          %swap3A_382 = arith.constant 48 : index
          %swap3A_383 = tpu.vector_load %arg12[%swap3A_381, %swap3A_382] {strides = array<i32>} : memref<80x128xf32, #tpu.memory_space<vmem>>, vector<16xf32>,
          tpu.vector_store %arg12[%swap3A_381, %swap3A_382], %add3A_380 {strides = array<i32>} : memref<80x128xf32, #tpu.memory_space<vmem>>, vector<16xf32>,
          %get3A_384 = arith.index_cast %scan3A_344 : i32 to index
          %get3A_385 = arith.constant 64 : index
          %get3A_386 = tpu.vector_load %arg12[%get3A_384, %get3A_385] {strides = array<i32>} : memref<80x128xf32, #tpu.memory_space<vmem>>, vector<16xf32>,
          %max3A_387 = arith.constant 0.000000e+00 : f32
          %max3A_388 = vector.broadcast %max3A_387 : f32 to vector<16xf32>
          %max3A_389 = arith.maximumf %get3A_386, %max3A_388 : vector<16xf32>
          %add3A_390 = arith.addf %max3A_389, %get3A_328 : vector<16xf32>
          %swap3A_391 = arith.index_cast %scan3A_344 : i32 to index
          %swap3A_392 = arith.constant 64 : index
          %swap3A_393 = tpu.vector_load %arg12[%swap3A_391, %swap3A_392] {strides = array<i32>} : memref<80x128xf32, #tpu.memory_space<vmem>>, vector<16xf32>,
          tpu.vector_store %arg12[%swap3A_391, %swap3A_392], %add3A_390 {strides = array<i32>} : memref<80x128xf32, #tpu.memory_space<vmem>>, vector<16xf32>,
          %get3A_394 = arith.index_cast %scan3A_344 : i32 to index
          %get3A_395 = arith.constant 80 : index
          %get3A_396 = tpu.vector_load %arg12[%get3A_394, %get3A_395] {strides = array<i32>} : memref<80x128xf32, #tpu.memory_space<vmem>>, vector<16xf32>,
          %max3A_397 = arith.constant 0.000000e+00 : f32
          %max3A_398 = vector.broadcast %max3A_397 : f32 to vector<16xf32>
          %max3A_399 = arith.maximumf %get3A_396, %max3A_398 : vector<16xf32>
          %add3A_400 = arith.addf %max3A_399, %get3A_328 : vector<16xf32>
          %swap3A_401 = arith.index_cast %scan3A_344 : i32 to index
          %swap3A_402 = arith.constant 80 : index
          %swap3A_403 = tpu.vector_load %arg12[%swap3A_401, %swap3A_402] {strides = array<i32>} : memref<80x128xf32, #tpu.memory_space<vmem>>, vector<16xf32>,
          tpu.vector_store %arg12[%swap3A_401, %swap3A_402], %add3A_400 {strides = array<i32>} : memref<80x128xf32, #tpu.memory_space<vmem>>, vector<16xf32>,
          %get3A_404 = arith.index_cast %scan3A_344 : i32 to index
          %get3A_405 = arith.constant 96 : index
          %get3A_406 = tpu.vector_load %arg12[%get3A_404, %get3A_405] {strides = array<i32>} : memref<80x128xf32, #tpu.memory_space<vmem>>, vector<16xf32>,
          %max3A_407 = arith.constant 0.000000e+00 : f32
          %max3A_408 = vector.broadcast %max3A_407 : f32 to vector<16xf32>
          %max3A_409 = arith.maximumf %get3A_406, %max3A_408 : vector<16xf32>
          %add3A_410 = arith.addf %max3A_409, %get3A_328 : vector<16xf32>
          %swap3A_411 = arith.index_cast %scan3A_344 : i32 to index
          %swap3A_412 = arith.constant 96 : index
          %swap3A_413 = tpu.vector_load %arg12[%swap3A_411, %swap3A_412] {strides = array<i32>} : memref<80x128xf32, #tpu.memory_space<vmem>>, vector<16xf32>,
          tpu.vector_store %arg12[%swap3A_411, %swap3A_412], %add3A_410 {strides = array<i32>} : memref<80x128xf32, #tpu.memory_space<vmem>>, vector<16xf32>,
          %get3A_414 = arith.index_cast %scan3A_344 : i32 to index
          %get3A_415 = arith.constant 112 : index
          %get3A_416 = tpu.vector_load %arg12[%get3A_414, %get3A_415] {strides = array<i32>} : memref<80x128xf32, #tpu.memory_space<vmem>>, vector<16xf32>,
          %max3A_417 = arith.constant 0.000000e+00 : f32
          %max3A_418 = vector.broadcast %max3A_417 : f32 to vector<16xf32>
          %max3A_419 = arith.maximumf %get3A_416, %max3A_418 : vector<16xf32>
          %add3A_420 = arith.addf %max3A_419, %get3A_328 : vector<16xf32>
          %swap3A_421 = arith.index_cast %scan3A_344 : i32 to index
          %swap3A_422 = arith.constant 112 : index
          %swap3A_423 = tpu.vector_load %arg12[%swap3A_421, %swap3A_422] {strides = array<i32>} : memref<80x128xf32, #tpu.memory_space<vmem>>, vector<16xf32>,
          tpu.vector_store %arg12[%swap3A_421, %swap3A_422], %add3A_420 {strides = array<i32>} : memref<80x128xf32, #tpu.memory_space<vmem>>, vector<16xf32>,
          %scan3A_424 = arith.constant 0 : i32
          scf.yield %scan3A_424 : i32
        }
        %scan3A_335 = arith.constant 80 : i32
        %mul3A_336 = arith.constant 80 : i32
        %mul3A_337 = arith.muli %select_n3A_201, %mul3A_336 : i32
        %add3A_338 = arith.addi %mul3A_2, %mul3A_337 : i32
        %lt3A_339 = arith.constant 10000 : i32
        %lt3A_340 = arith.cmpi slt, %add3A_338, %lt3A_339 : i32
        %convert_element_type3A_341 = arith.extui %lt3A_340 : i1 to i32
        %cond3A_342 = arith.constant 0 : i32
        %cond3A_343 = arith.cmpi ne, %convert_element_type3A_341, %cond3A_342 : i32
        scf.if %cond3A_343 {
          "tpu.region"() ({
            %run_scoped3A = tpu.sem_alloc : memref<!tpu.dma_semaphore, #tpu.memory_space<semaphore_mem>>
            %dma_start3A_344 = arith.constant 0 : i32
            %dma_start3A_345 = tpu.memref_slice %arg5[%add3A_338, %dma_start3A_344] : memref<10000x128xf32, #tpu.memory_space<hbm>> -> memref<80x128xf32, #tpu.memory_space<hbm>>
            %dma_start3A_346 = arith.constant 0 : i32
            %dma_start3A_347 = tpu.memref_slice %arg5[%add3A_338, %dma_start3A_346] : memref<10000x128xf32, #tpu.memory_space<hbm>> -> memref<80x128xf32, #tpu.memory_space<hbm>>
            tpu.enqueue_dma source(%arg12 : memref<80x128xf32, #tpu.memory_space<vmem>>) target(%dma_start3A_347 : memref<80x128xf32, #tpu.memory_space<hbm>>) target_semaphore(%run_scoped3A : memref<!tpu.dma_semaphore, #tpu.memory_space<semaphore_mem>>)
            %dma_wait3A_348 = arith.constant 0 : i32
            %dma_wait3A_349 = tpu.memref_slice %arg5[%add3A_338, %dma_wait3A_348] : memref<10000x128xf32, #tpu.memory_space<hbm>> -> memref<80x128xf32, #tpu.memory_space<hbm>>
            %dma_wait3A_350 = arith.constant 0 : i32
            %dma_wait3A_351 = tpu.memref_slice %arg5[%add3A_338, %dma_wait3A_350] : memref<10000x128xf32, #tpu.memory_space<hbm>> -> memref<80x128xf32, #tpu.memory_space<hbm>>
            tpu.wait_dma2 semaphore(%run_scoped3A : memref<!tpu.dma_semaphore, #tpu.memory_space<semaphore_mem>>) src(%arg12 : memref<80x128xf32, #tpu.memory_space<vmem>>) dst(%dma_wait3A_351 : memref<80x128xf32, #tpu.memory_space<hbm>>)
            tpu.yield
          }) : () -> ()
        } else {
        }
      } else {
      }
      %mul3A_249 = arith.constant 4 : i32
      %mul3A_250 = arith.muli %scan3A_36, %mul3A_249 : i32
      %add3A_251 = arith.constant 3 : i32
      %add3A_252 = arith.addi %mul3A_250, %add3A_251 : i32
      %jit3A_253 = arith.constant 32 : i32
      %div3A_254 = arith.divsi %add3A_252, %jit3A_253 : i32
      %sign3A_255 = arith.constant 0 : i32
      %sign3A_256 = arith.cmpi sgt, %add3A_252, %sign3A_255 : i32
      %sign3A_257 = arith.extui %sign3A_256 : i1 to i32
      %sign3A_258 = arith.constant 0 : i32
      %sign3A_259 = arith.cmpi slt, %add3A_252, %sign3A_258 : i32
      %sign3A_260 = arith.extui %sign3A_259 : i1 to i32
      %sign3A_261 = arith.subi %sign3A_257, %sign3A_260 : i32
      %sign3A_262 = arith.constant 0 : i32
      %sign3A_263 = arith.cmpi sgt, %jit3A_253, %sign3A_262 : i32
      %sign3A_264 = arith.extui %sign3A_263 : i1 to i32
      %sign3A_265 = arith.constant 0 : i32
      %sign3A_266 = arith.cmpi slt, %jit3A_253, %sign3A_265 : i32
      %sign3A_267 = arith.extui %sign3A_266 : i1 to i32
      %sign3A_268 = arith.subi %sign3A_264, %sign3A_267 : i32
      %ne3A_269 = arith.cmpi ne, %sign3A_261, %sign3A_268 : i32
      %rem3A_270 = arith.remsi %add3A_252, %jit3A_253 : i32
      %ne3A_271 = arith.constant 0 : i32
      %ne3A_272 = arith.cmpi ne, %rem3A_270, %ne3A_271 : i32
      %and3A_273 = arith.andi %ne3A_269, %ne3A_272 : i1
      %sub3A_274 = arith.constant 1 : i32
      %sub3A_275 = arith.subi %div3A_254, %sub3A_274 : i32
      %select_n3A_276 = arith.select %and3A_273, %sub3A_275, %div3A_254 : i32
      %jit3A_277 = arith.constant 32 : i32
      %eq3A_278 = arith.constant 0 : i32
      %eq3A_279 = arith.cmpi eq, %jit3A_277, %eq3A_278 : i32
      %jit3A_280 = arith.constant 1 : i32
      %select_n3A_281 = arith.select %eq3A_279, %jit3A_280, %jit3A_277 : i32
      %rem3A_282 = arith.remsi %add3A_252, %select_n3A_281 : i32
      %ne3A_283 = arith.constant 0 : i32
      %ne3A_284 = arith.cmpi ne, %rem3A_282, %ne3A_283 : i32
      %lt3A_285 = arith.constant 0 : i32
      %lt3A_286 = arith.cmpi slt, %rem3A_282, %lt3A_285 : i32
      %lt3A_287 = arith.constant 0 : i32
      %lt3A_288 = arith.cmpi slt, %select_n3A_281, %lt3A_287 : i32
      %ne3A_289 = arith.xori %lt3A_286, %lt3A_288 : i1
      %and3A_290 = arith.andi %ne3A_289, %ne3A_284 : i1
      %add3A_291 = arith.addi %rem3A_282, %select_n3A_281 : i32
      %select_n3A_292 = arith.select %and3A_290, %add3A_291, %rem3A_282 : i32
      %dma_wait3A_293 = arith.constant 0 : i32
      %dma_wait3A_294 = arith.constant 0 : i32
      %dma_wait3A_295 = tpu.memref_slice %arg6[%dma_wait3A_293, %dma_wait3A_294] : memref<32x320xi32, #tpu.memory_space<vmem>> -> memref<1x80xi32, #tpu.memory_space<vmem>>
      %dma_wait3A_296 = tpu.memref_squeeze %dma_wait3A_295 : memref<1x80xi32, #tpu.memory_space<vmem>> -> memref<80xi32, #tpu.memory_space<vmem>>
      %dma_wait3A_297 = arith.constant 0 : i32
      %dma_wait3A_298 = arith.constant 0 : i32
      %dma_wait3A_299 = tpu.memref_slice %arg2[%dma_wait3A_297, %dma_wait3A_298] : memref<20000x128xbf16, #tpu.memory_space<hbm>> -> memref<20000x128xbf16, #tpu.memory_space<hbm>>
      tpu.wait_indirect_dma semaphore(%arg16 : memref<!tpu.dma_semaphore, #tpu.memory_space<semaphore_mem>>) src(%dma_wait3A_299 : memref<20000x128xbf16, #tpu.memory_space<hbm>>) dst(%arg11 : memref<80x128xbf16, #tpu.memory_space<vmem>>)
      %get3A_300 = arith.index_cast %select_n3A_292 : i32 to index
      %get3A_301 = arith.constant 0 : index
      %get3A_302 = tpu.vector_load %arg7[%get3A_300, %get3A_301] {strides = array<i32>} : memref<33x16xf32, #tpu.memory_space<vmem>>, vector<16xf32>,
      %eq3A_303 = arith.constant 0 : i32
      %eq3A_304 = arith.cmpi eq, %select_n3A_292, %eq3A_303 : i32
      %scan3A_305 = arith.constant 0 : i32
      %scan3A_306 = arith.constant 0 : i32
      %scan3A_307 = arith.constant 80 : i32
      %scan3A_308 = arith.addi %scan3A_306, %scan3A_307 : i32
      %scan3A_309 = arith.constant 1 : i32
      %scan3A_310 = scf.for %scan3A_325 = %scan3A_306 to %scan3A_308 step %scan3A_309 iter_args(%scan3A_326 = %scan3A_305) -> (i32)  : i32 {
        %get3A_327 = arith.index_cast %scan3A_325 : i32 to index
        %get3A_328 = arith.constant 0 : index
        %get3A_329 = tpu.vector_load %arg11[%get3A_327, %get3A_328] {strides = array<i32>} : memref<80x128xbf16, #tpu.memory_space<vmem>>, vector<32xbf16>,
        %unpack3A = tpu.unpack_subelements %get3A_329, 0 {pack_format = #tpu.pack_format<interleaved>} : vector<32xbf16> -> vector<16xf32>
        %unpack3A_330 = tpu.unpack_subelements %get3A_329, 1 {pack_format = #tpu.pack_format<interleaved>} : vector<32xbf16> -> vector<16xf32>
        %mul3A_331 = arith.mulf %get3A_302, %unpack3A : vector<16xf32>
        %get3A_332 = arith.index_cast %scan3A_325 : i32 to index
        %get3A_333 = arith.constant 0 : index
        %get3A_334 = tpu.vector_load %arg12[%get3A_332, %get3A_333] {strides = array<i32>} : memref<80x128xf32, #tpu.memory_space<vmem>>, vector<16xf32>,
        %mul3A_335 = arith.mulf %get3A_302, %unpack3A : vector<16xf32>
        %add3A_336 = arith.addf %get3A_334, %mul3A_335 : vector<16xf32>
        %select_n3A_337 = arith.select %eq3A_304, %mul3A_331, %add3A_336 : vector<16xf32>
        %swap3A = arith.index_cast %scan3A_325 : i32 to index
        %swap3A_338 = arith.constant 0 : index
        %swap3A_339 = tpu.vector_load %arg12[%swap3A, %swap3A_338] {strides = array<i32>} : memref<80x128xf32, #tpu.memory_space<vmem>>, vector<16xf32>,
        tpu.vector_store %arg12[%swap3A, %swap3A_338], %select_n3A_337 {strides = array<i32>} : memref<80x128xf32, #tpu.memory_space<vmem>>, vector<16xf32>,
        %mul3A_340 = arith.mulf %get3A_302, %unpack3A_330 : vector<16xf32>
        %get3A_341 = arith.index_cast %scan3A_325 : i32 to index
        %get3A_342 = arith.constant 16 : index
        %get3A_343 = tpu.vector_load %arg12[%get3A_341, %get3A_342] {strides = array<i32>} : memref<80x128xf32, #tpu.memory_space<vmem>>, vector<16xf32>,
        %mul3A_344 = arith.mulf %get3A_302, %unpack3A_330 : vector<16xf32>
        %add3A_345 = arith.addf %get3A_343, %mul3A_344 : vector<16xf32>
        %select_n3A_346 = arith.select %eq3A_304, %mul3A_340, %add3A_345 : vector<16xf32>
        %swap3A_347 = arith.index_cast %scan3A_325 : i32 to index
        %swap3A_348 = arith.constant 16 : index
        %swap3A_349 = tpu.vector_load %arg12[%swap3A_347, %swap3A_348] {strides = array<i32>} : memref<80x128xf32, #tpu.memory_space<vmem>>, vector<16xf32>,
        tpu.vector_store %arg12[%swap3A_347, %swap3A_348], %select_n3A_346 {strides = array<i32>} : memref<80x128xf32, #tpu.memory_space<vmem>>, vector<16xf32>,
        %get3A_350 = arith.index_cast %scan3A_325 : i32 to index
        %get3A_351 = arith.constant 32 : index
        %get3A_352 = tpu.vector_load %arg11[%get3A_350, %get3A_351] {strides = array<i32>} : memref<80x128xbf16, #tpu.memory_space<vmem>>, vector<32xbf16>,
        %unpack3A_353 = tpu.unpack_subelements %get3A_352, 0 {pack_format = #tpu.pack_format<interleaved>} : vector<32xbf16> -> vector<16xf32>
        %unpack3A_354 = tpu.unpack_subelements %get3A_352, 1 {pack_format = #tpu.pack_format<interleaved>} : vector<32xbf16> -> vector<16xf32>
        %mul3A_355 = arith.mulf %get3A_302, %unpack3A_353 : vector<16xf32>
        %get3A_356 = arith.index_cast %scan3A_325 : i32 to index
        %get3A_357 = arith.constant 32 : index
        %get3A_358 = tpu.vector_load %arg12[%get3A_356, %get3A_357] {strides = array<i32>} : memref<80x128xf32, #tpu.memory_space<vmem>>, vector<16xf32>,
        %mul3A_359 = arith.mulf %get3A_302, %unpack3A_353 : vector<16xf32>
        %add3A_360 = arith.addf %get3A_358, %mul3A_359 : vector<16xf32>
        %select_n3A_361 = arith.select %eq3A_304, %mul3A_355, %add3A_360 : vector<16xf32>
        %swap3A_362 = arith.index_cast %scan3A_325 : i32 to index
        %swap3A_363 = arith.constant 32 : index
        %swap3A_364 = tpu.vector_load %arg12[%swap3A_362, %swap3A_363] {strides = array<i32>} : memref<80x128xf32, #tpu.memory_space<vmem>>, vector<16xf32>,
        tpu.vector_store %arg12[%swap3A_362, %swap3A_363], %select_n3A_361 {strides = array<i32>} : memref<80x128xf32, #tpu.memory_space<vmem>>, vector<16xf32>,
        %mul3A_365 = arith.mulf %get3A_302, %unpack3A_354 : vector<16xf32>
        %get3A_366 = arith.index_cast %scan3A_325 : i32 to index
        %get3A_367 = arith.constant 48 : index
        %get3A_368 = tpu.vector_load %arg12[%get3A_366, %get3A_367] {strides = array<i32>} : memref<80x128xf32, #tpu.memory_space<vmem>>, vector<16xf32>,
        %mul3A_369 = arith.mulf %get3A_302, %unpack3A_354 : vector<16xf32>
        %add3A_370 = arith.addf %get3A_368, %mul3A_369 : vector<16xf32>
        %select_n3A_371 = arith.select %eq3A_304, %mul3A_365, %add3A_370 : vector<16xf32>
        %swap3A_372 = arith.index_cast %scan3A_325 : i32 to index
        %swap3A_373 = arith.constant 48 : index
        %swap3A_374 = tpu.vector_load %arg12[%swap3A_372, %swap3A_373] {strides = array<i32>} : memref<80x128xf32, #tpu.memory_space<vmem>>, vector<16xf32>,
        tpu.vector_store %arg12[%swap3A_372, %swap3A_373], %select_n3A_371 {strides = array<i32>} : memref<80x128xf32, #tpu.memory_space<vmem>>, vector<16xf32>,
        %get3A_375 = arith.index_cast %scan3A_325 : i32 to index
        %get3A_376 = arith.constant 64 : index
        %get3A_377 = tpu.vector_load %arg11[%get3A_375, %get3A_376] {strides = array<i32>} : memref<80x128xbf16, #tpu.memory_space<vmem>>, vector<32xbf16>,
        %unpack3A_378 = tpu.unpack_subelements %get3A_377, 0 {pack_format = #tpu.pack_format<interleaved>} : vector<32xbf16> -> vector<16xf32>
        %unpack3A_379 = tpu.unpack_subelements %get3A_377, 1 {pack_format = #tpu.pack_format<interleaved>} : vector<32xbf16> -> vector<16xf32>
        %mul3A_380 = arith.mulf %get3A_302, %unpack3A_378 : vector<16xf32>
        %get3A_381 = arith.index_cast %scan3A_325 : i32 to index
        %get3A_382 = arith.constant 64 : index
        %get3A_383 = tpu.vector_load %arg12[%get3A_381, %get3A_382] {strides = array<i32>} : memref<80x128xf32, #tpu.memory_space<vmem>>, vector<16xf32>,
        %mul3A_384 = arith.mulf %get3A_302, %unpack3A_378 : vector<16xf32>
        %add3A_385 = arith.addf %get3A_383, %mul3A_384 : vector<16xf32>
        %select_n3A_386 = arith.select %eq3A_304, %mul3A_380, %add3A_385 : vector<16xf32>
        %swap3A_387 = arith.index_cast %scan3A_325 : i32 to index
        %swap3A_388 = arith.constant 64 : index
        %swap3A_389 = tpu.vector_load %arg12[%swap3A_387, %swap3A_388] {strides = array<i32>} : memref<80x128xf32, #tpu.memory_space<vmem>>, vector<16xf32>,
        tpu.vector_store %arg12[%swap3A_387, %swap3A_388], %select_n3A_386 {strides = array<i32>} : memref<80x128xf32, #tpu.memory_space<vmem>>, vector<16xf32>,
        %mul3A_390 = arith.mulf %get3A_302, %unpack3A_379 : vector<16xf32>
        %get3A_391 = arith.index_cast %scan3A_325 : i32 to index
        %get3A_392 = arith.constant 80 : index
        %get3A_393 = tpu.vector_load %arg12[%get3A_391, %get3A_392] {strides = array<i32>} : memref<80x128xf32, #tpu.memory_space<vmem>>, vector<16xf32>,
        %mul3A_394 = arith.mulf %get3A_302, %unpack3A_379 : vector<16xf32>
        %add3A_395 = arith.addf %get3A_393, %mul3A_394 : vector<16xf32>
        %select_n3A_396 = arith.select %eq3A_304, %mul3A_390, %add3A_395 : vector<16xf32>
        %swap3A_397 = arith.index_cast %scan3A_325 : i32 to index
        %swap3A_398 = arith.constant 80 : index
        %swap3A_399 = tpu.vector_load %arg12[%swap3A_397, %swap3A_398] {strides = array<i32>} : memref<80x128xf32, #tpu.memory_space<vmem>>, vector<16xf32>,
        tpu.vector_store %arg12[%swap3A_397, %swap3A_398], %select_n3A_396 {strides = array<i32>} : memref<80x128xf32, #tpu.memory_space<vmem>>, vector<16xf32>,
        %get3A_400 = arith.index_cast %scan3A_325 : i32 to index
        %get3A_401 = arith.constant 96 : index
        %get3A_402 = tpu.vector_load %arg11[%get3A_400, %get3A_401] {strides = array<i32>} : memref<80x128xbf16, #tpu.memory_space<vmem>>, vector<32xbf16>,
        %unpack3A_403 = tpu.unpack_subelements %get3A_402, 0 {pack_format = #tpu.pack_format<interleaved>} : vector<32xbf16> -> vector<16xf32>
        %unpack3A_404 = tpu.unpack_subelements %get3A_402, 1 {pack_format = #tpu.pack_format<interleaved>} : vector<32xbf16> -> vector<16xf32>
        %mul3A_405 = arith.mulf %get3A_302, %unpack3A_403 : vector<16xf32>
        %get3A_406 = arith.index_cast %scan3A_325 : i32 to index
        %get3A_407 = arith.constant 96 : index
        %get3A_408 = tpu.vector_load %arg12[%get3A_406, %get3A_407] {strides = array<i32>} : memref<80x128xf32, #tpu.memory_space<vmem>>, vector<16xf32>,
        %mul3A_409 = arith.mulf %get3A_302, %unpack3A_403 : vector<16xf32>
        %add3A_410 = arith.addf %get3A_408, %mul3A_409 : vector<16xf32>
        %select_n3A_411 = arith.select %eq3A_304, %mul3A_405, %add3A_410 : vector<16xf32>
        %swap3A_412 = arith.index_cast %scan3A_325 : i32 to index
        %swap3A_413 = arith.constant 96 : index
        %swap3A_414 = tpu.vector_load %arg12[%swap3A_412, %swap3A_413] {strides = array<i32>} : memref<80x128xf32, #tpu.memory_space<vmem>>, vector<16xf32>,
        tpu.vector_store %arg12[%swap3A_412, %swap3A_413], %select_n3A_411 {strides = array<i32>} : memref<80x128xf32, #tpu.memory_space<vmem>>, vector<16xf32>,
        %mul3A_415 = arith.mulf %get3A_302, %unpack3A_404 : vector<16xf32>
        %get3A_416 = arith.index_cast %scan3A_325 : i32 to index
        %get3A_417 = arith.constant 112 : index
        %get3A_418 = tpu.vector_load %arg12[%get3A_416, %get3A_417] {strides = array<i32>} : memref<80x128xf32, #tpu.memory_space<vmem>>, vector<16xf32>,
        %mul3A_419 = arith.mulf %get3A_302, %unpack3A_404 : vector<16xf32>
        %add3A_420 = arith.addf %get3A_418, %mul3A_419 : vector<16xf32>
        %select_n3A_421 = arith.select %eq3A_304, %mul3A_415, %add3A_420 : vector<16xf32>
        %swap3A_422 = arith.index_cast %scan3A_325 : i32 to index
        %swap3A_423 = arith.constant 112 : index
        %swap3A_424 = tpu.vector_load %arg12[%swap3A_422, %swap3A_423] {strides = array<i32>} : memref<80x128xf32, #tpu.memory_space<vmem>>, vector<16xf32>,
        tpu.vector_store %arg12[%swap3A_422, %swap3A_423], %select_n3A_421 {strides = array<i32>} : memref<80x128xf32, #tpu.memory_space<vmem>>, vector<16xf32>,
        %scan3A_425 = arith.constant 0 : i32
        scf.yield %scan3A_425 : i32
      }
      %scan3A_311 = arith.constant 80 : i32
      %add3A_312 = arith.constant 4 : i32
      %add3A_313 = arith.addi %add3A_252, %add3A_312 : i32
      %lt3A_314 = arith.constant 128 : i32
      %lt3A_315 = arith.cmpi slt, %add3A_313, %lt3A_314 : i32
      %convert_element_type3A_316 = arith.extui %lt3A_315 : i1 to i32
      %cond3A_317 = arith.constant 0 : i32
      %cond3A_318 = arith.cmpi ne, %convert_element_type3A_316, %cond3A_317 : i32
      scf.if %cond3A_318 {
        %add3A_325 = arith.constant 4 : i32
        %add3A_326 = arith.addi %add3A_252, %add3A_325 : i32
        %jit3A_327 = arith.constant 32 : i32
        %div3A_328 = arith.divsi %add3A_326, %jit3A_327 : i32
        %sign3A_329 = arith.constant 0 : i32
        %sign3A_330 = arith.cmpi sgt, %add3A_326, %sign3A_329 : i32
        %sign3A_331 = arith.extui %sign3A_330 : i1 to i32
        %sign3A_332 = arith.constant 0 : i32
        %sign3A_333 = arith.cmpi slt, %add3A_326, %sign3A_332 : i32
        %sign3A_334 = arith.extui %sign3A_333 : i1 to i32
        %sign3A_335 = arith.subi %sign3A_331, %sign3A_334 : i32
        %sign3A_336 = arith.constant 0 : i32
        %sign3A_337 = arith.cmpi sgt, %jit3A_327, %sign3A_336 : i32
        %sign3A_338 = arith.extui %sign3A_337 : i1 to i32
        %sign3A_339 = arith.constant 0 : i32
        %sign3A_340 = arith.cmpi slt, %jit3A_327, %sign3A_339 : i32
        %sign3A_341 = arith.extui %sign3A_340 : i1 to i32
        %sign3A_342 = arith.subi %sign3A_338, %sign3A_341 : i32
        %ne3A_343 = arith.cmpi ne, %sign3A_335, %sign3A_342 : i32
        %rem3A_344 = arith.remsi %add3A_326, %jit3A_327 : i32
        %ne3A_345 = arith.constant 0 : i32
        %ne3A_346 = arith.cmpi ne, %rem3A_344, %ne3A_345 : i32
        %and3A_347 = arith.andi %ne3A_343, %ne3A_346 : i1
        %sub3A_348 = arith.constant 1 : i32
        %sub3A_349 = arith.subi %div3A_328, %sub3A_348 : i32
        %select_n3A_350 = arith.select %and3A_347, %sub3A_349, %div3A_328 : i32
        %jit3A_351 = arith.constant 32 : i32
        %eq3A_352 = arith.constant 0 : i32
        %eq3A_353 = arith.cmpi eq, %jit3A_351, %eq3A_352 : i32
        %jit3A_354 = arith.constant 1 : i32
        %select_n3A_355 = arith.select %eq3A_353, %jit3A_354, %jit3A_351 : i32
        %rem3A_356 = arith.remsi %add3A_326, %select_n3A_355 : i32
        %ne3A_357 = arith.constant 0 : i32
        %ne3A_358 = arith.cmpi ne, %rem3A_356, %ne3A_357 : i32
        %lt3A_359 = arith.constant 0 : i32
        %lt3A_360 = arith.cmpi slt, %rem3A_356, %lt3A_359 : i32
        %lt3A_361 = arith.constant 0 : i32
        %lt3A_362 = arith.cmpi slt, %select_n3A_355, %lt3A_361 : i32
        %ne3A_363 = arith.xori %lt3A_360, %lt3A_362 : i1
        %and3A_364 = arith.andi %ne3A_363, %ne3A_358 : i1
        %add3A_365 = arith.addi %rem3A_356, %select_n3A_355 : i32
        %select_n3A_366 = arith.select %and3A_364, %add3A_365, %rem3A_356 : i32
        %mul3A_367 = arith.constant 80 : i32
        %mul3A_368 = arith.muli %select_n3A_350, %mul3A_367 : i32
        %dma_start3A_369 = tpu.memref_slice %arg6[%select_n3A_366, %mul3A_368] : memref<32x320xi32, #tpu.memory_space<vmem>> -> memref<1x80xi32, #tpu.memory_space<vmem>>
        %dma_start3A_370 = tpu.memref_squeeze %dma_start3A_369 : memref<1x80xi32, #tpu.memory_space<vmem>> -> memref<80xi32, #tpu.memory_space<vmem>>
        %dma_start3A_371 = arith.constant 0 : i32
        %dma_start3A_372 = arith.constant 0 : i32
        %dma_start3A_373 = tpu.memref_slice %arg2[%dma_start3A_371, %dma_start3A_372] : memref<20000x128xbf16, #tpu.memory_space<hbm>> -> memref<20000x128xbf16, #tpu.memory_space<hbm>>
        tpu.enqueue_indirect_dma source(%dma_start3A_373 : memref<20000x128xbf16, #tpu.memory_space<hbm>>) target(%arg11 : memref<80x128xbf16, #tpu.memory_space<vmem>>) offsets(%dma_start3A_370 : memref<80xi32, #tpu.memory_space<vmem>>) semaphore(%arg16 : memref<!tpu.dma_semaphore, #tpu.memory_space<semaphore_mem>>)
      } else {
      }
      %eq3A_319 = arith.constant 31 : i32
      %eq3A_320 = arith.cmpi eq, %select_n3A_292, %eq3A_319 : i32
      %convert_element_type3A_321 = arith.extui %eq3A_320 : i1 to i32
      %cond3A_322 = arith.constant 0 : i32
      %cond3A_323 = arith.cmpi ne, %convert_element_type3A_321, %cond3A_322 : i32
      scf.if %cond3A_323 {
        %get3A_325 = arith.constant 32 : i32
        %get3A_326 = arith.index_cast %get3A_325 : i32 to index
        %get3A_327 = arith.constant 0 : index
        %get3A_328 = tpu.vector_load %arg7[%get3A_326, %get3A_327] {strides = array<i32>} : memref<33x16xf32, #tpu.memory_space<vmem>>, vector<16xf32>,
        %scan3A_329 = arith.constant 0 : i32
        %scan3A_330 = arith.constant 0 : i32
        %scan3A_331 = arith.constant 80 : i32
        %scan3A_332 = arith.addi %scan3A_330, %scan3A_331 : i32
        %scan3A_333 = arith.constant 1 : i32
        %scan3A_334 = scf.for %scan3A_344 = %scan3A_330 to %scan3A_332 step %scan3A_333 iter_args(%scan3A_345 = %scan3A_329) -> (i32)  : i32 {
          %get3A_346 = arith.index_cast %scan3A_344 : i32 to index
          %get3A_347 = arith.constant 0 : index
          %get3A_348 = tpu.vector_load %arg12[%get3A_346, %get3A_347] {strides = array<i32>} : memref<80x128xf32, #tpu.memory_space<vmem>>, vector<16xf32>,
          %max3A = arith.constant 0.000000e+00 : f32
          %max3A_349 = vector.broadcast %max3A : f32 to vector<16xf32>
          %max3A_350 = arith.maximumf %get3A_348, %max3A_349 : vector<16xf32>
          %add3A_351 = arith.addf %max3A_350, %get3A_328 : vector<16xf32>
          %swap3A = arith.index_cast %scan3A_344 : i32 to index
          %swap3A_352 = arith.constant 0 : index
          %swap3A_353 = tpu.vector_load %arg12[%swap3A, %swap3A_352] {strides = array<i32>} : memref<80x128xf32, #tpu.memory_space<vmem>>, vector<16xf32>,
          tpu.vector_store %arg12[%swap3A, %swap3A_352], %add3A_351 {strides = array<i32>} : memref<80x128xf32, #tpu.memory_space<vmem>>, vector<16xf32>,
          %get3A_354 = arith.index_cast %scan3A_344 : i32 to index
          %get3A_355 = arith.constant 16 : index
          %get3A_356 = tpu.vector_load %arg12[%get3A_354, %get3A_355] {strides = array<i32>} : memref<80x128xf32, #tpu.memory_space<vmem>>, vector<16xf32>,
          %max3A_357 = arith.constant 0.000000e+00 : f32
          %max3A_358 = vector.broadcast %max3A_357 : f32 to vector<16xf32>
          %max3A_359 = arith.maximumf %get3A_356, %max3A_358 : vector<16xf32>
          %add3A_360 = arith.addf %max3A_359, %get3A_328 : vector<16xf32>
          %swap3A_361 = arith.index_cast %scan3A_344 : i32 to index
          %swap3A_362 = arith.constant 16 : index
          %swap3A_363 = tpu.vector_load %arg12[%swap3A_361, %swap3A_362] {strides = array<i32>} : memref<80x128xf32, #tpu.memory_space<vmem>>, vector<16xf32>,
          tpu.vector_store %arg12[%swap3A_361, %swap3A_362], %add3A_360 {strides = array<i32>} : memref<80x128xf32, #tpu.memory_space<vmem>>, vector<16xf32>,
          %get3A_364 = arith.index_cast %scan3A_344 : i32 to index
          %get3A_365 = arith.constant 32 : index
          %get3A_366 = tpu.vector_load %arg12[%get3A_364, %get3A_365] {strides = array<i32>} : memref<80x128xf32, #tpu.memory_space<vmem>>, vector<16xf32>,
          %max3A_367 = arith.constant 0.000000e+00 : f32
          %max3A_368 = vector.broadcast %max3A_367 : f32 to vector<16xf32>
          %max3A_369 = arith.maximumf %get3A_366, %max3A_368 : vector<16xf32>
          %add3A_370 = arith.addf %max3A_369, %get3A_328 : vector<16xf32>
          %swap3A_371 = arith.index_cast %scan3A_344 : i32 to index
          %swap3A_372 = arith.constant 32 : index
          %swap3A_373 = tpu.vector_load %arg12[%swap3A_371, %swap3A_372] {strides = array<i32>} : memref<80x128xf32, #tpu.memory_space<vmem>>, vector<16xf32>,
          tpu.vector_store %arg12[%swap3A_371, %swap3A_372], %add3A_370 {strides = array<i32>} : memref<80x128xf32, #tpu.memory_space<vmem>>, vector<16xf32>,
          %get3A_374 = arith.index_cast %scan3A_344 : i32 to index
          %get3A_375 = arith.constant 48 : index
          %get3A_376 = tpu.vector_load %arg12[%get3A_374, %get3A_375] {strides = array<i32>} : memref<80x128xf32, #tpu.memory_space<vmem>>, vector<16xf32>,
          %max3A_377 = arith.constant 0.000000e+00 : f32
          %max3A_378 = vector.broadcast %max3A_377 : f32 to vector<16xf32>
          %max3A_379 = arith.maximumf %get3A_376, %max3A_378 : vector<16xf32>
          %add3A_380 = arith.addf %max3A_379, %get3A_328 : vector<16xf32>
          %swap3A_381 = arith.index_cast %scan3A_344 : i32 to index
          %swap3A_382 = arith.constant 48 : index
          %swap3A_383 = tpu.vector_load %arg12[%swap3A_381, %swap3A_382] {strides = array<i32>} : memref<80x128xf32, #tpu.memory_space<vmem>>, vector<16xf32>,
          tpu.vector_store %arg12[%swap3A_381, %swap3A_382], %add3A_380 {strides = array<i32>} : memref<80x128xf32, #tpu.memory_space<vmem>>, vector<16xf32>,
          %get3A_384 = arith.index_cast %scan3A_344 : i32 to index
          %get3A_385 = arith.constant 64 : index
          %get3A_386 = tpu.vector_load %arg12[%get3A_384, %get3A_385] {strides = array<i32>} : memref<80x128xf32, #tpu.memory_space<vmem>>, vector<16xf32>,
          %max3A_387 = arith.constant 0.000000e+00 : f32
          %max3A_388 = vector.broadcast %max3A_387 : f32 to vector<16xf32>
          %max3A_389 = arith.maximumf %get3A_386, %max3A_388 : vector<16xf32>
          %add3A_390 = arith.addf %max3A_389, %get3A_328 : vector<16xf32>
          %swap3A_391 = arith.index_cast %scan3A_344 : i32 to index
          %swap3A_392 = arith.constant 64 : index
          %swap3A_393 = tpu.vector_load %arg12[%swap3A_391, %swap3A_392] {strides = array<i32>} : memref<80x128xf32, #tpu.memory_space<vmem>>, vector<16xf32>,
          tpu.vector_store %arg12[%swap3A_391, %swap3A_392], %add3A_390 {strides = array<i32>} : memref<80x128xf32, #tpu.memory_space<vmem>>, vector<16xf32>,
          %get3A_394 = arith.index_cast %scan3A_344 : i32 to index
          %get3A_395 = arith.constant 80 : index
          %get3A_396 = tpu.vector_load %arg12[%get3A_394, %get3A_395] {strides = array<i32>} : memref<80x128xf32, #tpu.memory_space<vmem>>, vector<16xf32>,
          %max3A_397 = arith.constant 0.000000e+00 : f32
          %max3A_398 = vector.broadcast %max3A_397 : f32 to vector<16xf32>
          %max3A_399 = arith.maximumf %get3A_396, %max3A_398 : vector<16xf32>
          %add3A_400 = arith.addf %max3A_399, %get3A_328 : vector<16xf32>
          %swap3A_401 = arith.index_cast %scan3A_344 : i32 to index
          %swap3A_402 = arith.constant 80 : index
          %swap3A_403 = tpu.vector_load %arg12[%swap3A_401, %swap3A_402] {strides = array<i32>} : memref<80x128xf32, #tpu.memory_space<vmem>>, vector<16xf32>,
          tpu.vector_store %arg12[%swap3A_401, %swap3A_402], %add3A_400 {strides = array<i32>} : memref<80x128xf32, #tpu.memory_space<vmem>>, vector<16xf32>,
          %get3A_404 = arith.index_cast %scan3A_344 : i32 to index
          %get3A_405 = arith.constant 96 : index
          %get3A_406 = tpu.vector_load %arg12[%get3A_404, %get3A_405] {strides = array<i32>} : memref<80x128xf32, #tpu.memory_space<vmem>>, vector<16xf32>,
          %max3A_407 = arith.constant 0.000000e+00 : f32
          %max3A_408 = vector.broadcast %max3A_407 : f32 to vector<16xf32>
          %max3A_409 = arith.maximumf %get3A_406, %max3A_408 : vector<16xf32>
          %add3A_410 = arith.addf %max3A_409, %get3A_328 : vector<16xf32>
          %swap3A_411 = arith.index_cast %scan3A_344 : i32 to index
          %swap3A_412 = arith.constant 96 : index
          %swap3A_413 = tpu.vector_load %arg12[%swap3A_411, %swap3A_412] {strides = array<i32>} : memref<80x128xf32, #tpu.memory_space<vmem>>, vector<16xf32>,
          tpu.vector_store %arg12[%swap3A_411, %swap3A_412], %add3A_410 {strides = array<i32>} : memref<80x128xf32, #tpu.memory_space<vmem>>, vector<16xf32>,
          %get3A_414 = arith.index_cast %scan3A_344 : i32 to index
          %get3A_415 = arith.constant 112 : index
          %get3A_416 = tpu.vector_load %arg12[%get3A_414, %get3A_415] {strides = array<i32>} : memref<80x128xf32, #tpu.memory_space<vmem>>, vector<16xf32>,
          %max3A_417 = arith.constant 0.000000e+00 : f32
          %max3A_418 = vector.broadcast %max3A_417 : f32 to vector<16xf32>
          %max3A_419 = arith.maximumf %get3A_416, %max3A_418 : vector<16xf32>
          %add3A_420 = arith.addf %max3A_419, %get3A_328 : vector<16xf32>
          %swap3A_421 = arith.index_cast %scan3A_344 : i32 to index
          %swap3A_422 = arith.constant 112 : index
          %swap3A_423 = tpu.vector_load %arg12[%swap3A_421, %swap3A_422] {strides = array<i32>} : memref<80x128xf32, #tpu.memory_space<vmem>>, vector<16xf32>,
          tpu.vector_store %arg12[%swap3A_421, %swap3A_422], %add3A_420 {strides = array<i32>} : memref<80x128xf32, #tpu.memory_space<vmem>>, vector<16xf32>,
          %scan3A_424 = arith.constant 0 : i32
          scf.yield %scan3A_424 : i32
        }
        %scan3A_335 = arith.constant 80 : i32
        %mul3A_336 = arith.constant 80 : i32
        %mul3A_337 = arith.muli %select_n3A_276, %mul3A_336 : i32
        %add3A_338 = arith.addi %mul3A_2, %mul3A_337 : i32
        %lt3A_339 = arith.constant 10000 : i32
        %lt3A_340 = arith.cmpi slt, %add3A_338, %lt3A_339 : i32
        %convert_element_type3A_341 = arith.extui %lt3A_340 : i1 to i32
        %cond3A_342 = arith.constant 0 : i32
        %cond3A_343 = arith.cmpi ne, %convert_element_type3A_341, %cond3A_342 : i32
        scf.if %cond3A_343 {
          "tpu.region"() ({
            %run_scoped3A = tpu.sem_alloc : memref<!tpu.dma_semaphore, #tpu.memory_space<semaphore_mem>>
            %dma_start3A_344 = arith.constant 0 : i32
            %dma_start3A_345 = tpu.memref_slice %arg5[%add3A_338, %dma_start3A_344] : memref<10000x128xf32, #tpu.memory_space<hbm>> -> memref<80x128xf32, #tpu.memory_space<hbm>>
            %dma_start3A_346 = arith.constant 0 : i32
            %dma_start3A_347 = tpu.memref_slice %arg5[%add3A_338, %dma_start3A_346] : memref<10000x128xf32, #tpu.memory_space<hbm>> -> memref<80x128xf32, #tpu.memory_space<hbm>>
            tpu.enqueue_dma source(%arg12 : memref<80x128xf32, #tpu.memory_space<vmem>>) target(%dma_start3A_347 : memref<80x128xf32, #tpu.memory_space<hbm>>) target_semaphore(%run_scoped3A : memref<!tpu.dma_semaphore, #tpu.memory_space<semaphore_mem>>)
            %dma_wait3A_348 = arith.constant 0 : i32
            %dma_wait3A_349 = tpu.memref_slice %arg5[%add3A_338, %dma_wait3A_348] : memref<10000x128xf32, #tpu.memory_space<hbm>> -> memref<80x128xf32, #tpu.memory_space<hbm>>
            %dma_wait3A_350 = arith.constant 0 : i32
            %dma_wait3A_351 = tpu.memref_slice %arg5[%add3A_338, %dma_wait3A_350] : memref<10000x128xf32, #tpu.memory_space<hbm>> -> memref<80x128xf32, #tpu.memory_space<hbm>>
            tpu.wait_dma2 semaphore(%run_scoped3A : memref<!tpu.dma_semaphore, #tpu.memory_space<semaphore_mem>>) src(%arg12 : memref<80x128xf32, #tpu.memory_space<vmem>>) dst(%dma_wait3A_351 : memref<80x128xf32, #tpu.memory_space<hbm>>)
            tpu.yield
          }) : () -> ()
        } else {
        }
      } else {
      }
      %scan3A_324 = arith.constant 0 : i32
      scf.yield %scan3A_324 : i32
    }
    %scan3A_35 = arith.constant 32 : i32
    return
  }
}

module attributes {stable_mosaic.version = 14 : i64} {
  func.func @_mm_body(%arg0: i32, %arg1: i32, %arg2: memref<5000x128xf32, #tpu.memory_space<vmem>>, %arg3: memref<128x128xf32, #tpu.memory_space<vmem>>, %arg4: memref<5000x128xbf16, #tpu.memory_space<vmem>>) attributes {dimension_semantics = [#tpu.dimension_semantics<arbitrary>, #tpu.dimension_semantics<arbitrary>], iteration_bounds = array<i64: 2, 2>, scalar_prefetch = 0 : i64, scratch_operands = 0 : i64, tpu.core_type = #tpu.core_type<tc>, window_params = [{transform_indices = @transform_0, window_bounds = array<i64: 5000, 128>}, {transform_indices = @transform_1, window_bounds = array<i64: 128, 128>}, {transform_indices = @transform_2, window_bounds = array<i64: 5000, 128>}]} {
    %get3A = arith.constant 0 : index
    %get3A_0 = arith.constant 0 : index
    %get3A_1 = vector.load %arg2[%get3A, %get3A_0] : memref<5000x128xf32, #tpu.memory_space<vmem>>, vector<5000x128xf32>
    %get3A_2 = arith.constant 0 : index
    %get3A_3 = arith.constant 0 : index
    %get3A_4 = vector.load %arg3[%get3A_2, %get3A_3] : memref<128x128xf32, #tpu.memory_space<vmem>>, vector<128x128xf32>
    %dot_general3A = arith.constant dense<0.000000e+00> : vector<5000x128xf32>
    %dot_general3A_5 = tpu.matmul %get3A_1, %get3A_4, %dot_general3A {dimension_numbers = #tpu.dot_dimension_numbers<[1], [1], [0], [0], [0, 0, 1, 0], [], []>, transpose_lhs_hint = false} : vector<5000x128xf32>, vector<128x128xf32>, vector<5000x128xf32> -> vector<5000x128xf32>
    %convert_element_type3A = arith.truncf %dot_general3A_5 : vector<5000x128xf32> to vector<5000x128xbf16>
    %swap3A = arith.constant 0 : index
    %swap3A_6 = arith.constant 0 : index
    %swap3A_7 = vector.load %arg4[%swap3A, %swap3A_6] : memref<5000x128xbf16, #tpu.memory_space<vmem>>, vector<5000x128xbf16>
    tpu.vector_store %arg4[%swap3A, %swap3A_6], %convert_element_type3A {strides = array<i32>} : memref<5000x128xbf16, #tpu.memory_space<vmem>>, vector<5000x128xbf16>,
    return
  }
  func.func @transform_0(%arg0: i32, %arg1: i32) -> (i32, i32) {
    %c0_i32 = arith.constant 0 : i32
    %c0_i32_0 = arith.constant 0 : i32
    return %arg1, %c0_i32 : i32, i32
  }
  func.func @transform_1(%arg0: i32, %arg1: i32) -> (i32, i32) {
    %c0_i32 = arith.constant 0 : i32
    %c0_i32_0 = arith.constant 0 : i32
    return %c0_i32, %arg0 : i32, i32
  }
  func.func @transform_2(%arg0: i32, %arg1: i32) -> (i32, i32) {
    %mul3A = arith.constant 2 : i32
    %mul3A_0 = arith.muli %arg0, %mul3A : i32
    %add3A = arith.addi %mul3A_0, %arg1 : i32
    %c0_i32 = arith.constant 0 : i32
    %c0_i32_1 = arith.constant 0 : i32
    return %add3A, %c0_i32 : i32, i32
  }
}

</mosaic_0001>

<sc_bundles>
// kernel: kernel.4.cloned.1.call-start
scs
__scs_entry_jumppad:
0x0: {  	(pc) =	sbr.rel $0x88, $3  }
0x1: {  	(tag) =	ssettag $0x0;
	lr =	simm.s32 $0x1  }
0x2: {  	[smem:$0x3F9C] =	sst lr;
	_ =	strace $0xD0000000  }
0x3: {  	_ = 	snop  }
0x4: {  	_ = 	snop  }
0x5: {  	_ = 	snop  }
0x6: {  	_ = 	snop  }
0x7: {  	_ = 	snop  }
__scs_overlays_trampoline_lowered:
0x8: {  	[smem:$0x3FAB] =	sst s0  }
0x9: {  	[smem:$0x3FAC] =	sst s1  }
0xa: {  	[smem:$0x3FAD] =	sst s2  }
0xb: {  	[smem:$0x3FAE] =	sst s3  }
0xc: {  	[smem:$0x3FAF] =	sst s4  }
0xd: {  	[smem:$0x3FB0] =	sst s5  }
0xe: {  	[smem:$0x3FB1] =	sst s6  }
0xf: {  	[smem:$0x3FB2] =	sst s7  }
0x10: {  	[smem:$0x3FB3] =	sst s8  }
0x11: {  	[smem:$0x3FB4] =	sst s9;
	s0 =	simm.s32 @!p0 $0x0  }
0x12: {  	s1 =	sld [smem:$0x3F9A];
	s0 =	simm.s32 @p0 $0x1  }
0x13: {  	[smem:$0x3FB5] =	sst s0;
	s0 =	simm.s32 @!p1 $0x0  }
0x14: {  	s2 =	sld [smem:$0x3F99];
	s0 =	simm.s32 @p1 $0x1  }
0x15: {  	[smem:$0x3FB6] =	sst s0;
	s0 =	simm.s32 @!p2 $0x0  }
0x16: {  	s3 =	sld [smem:$0x3FDB];
	s0 =	simm.s32 @p2 $0x1  }
0x17: {  	s4 =	simm.s32 $0x1BF5;
	[smem:$0x3FB8] =	sst s0  }
0x18: {  	s0 =	sld [smem:$0x3F9B];
	_ =	swait.ge [sflag:s4], $0x0  }
0x19: {  	s7 =	sld [smem:$0x3F9C]  }
0x1a: {  	s8 =	sadd.s32 $0xFFFFE003, lr  }
0x1b: {  	s9 =	sadd.s32 $0xFFFFFEF7, lr;
	s5 =	simm.s32 $0xFFFFFFFF;
	p2 =	slt.u32 s8, $0xFFFFF086  }
0x1c: {  	p1 =	slt.u32 s9, $0xF7A;
	s5 =	simm.s32 @!p2 $0x0  }
0x1d: {  	s5 =	simm.s32 @p1 $0x1;
	p0 =	seq.s32 s7, s2  }
0x1e: {  	s7 =	smul.u32 @!p0 $0xF7A, s2;
	p2 =	seq.s32 @!p0 s5, $0x0  }
0x1f: {  	s9 =	smul.u32 $0xF7A, s1;
	s8 =	simm.s32 @!p0 $0x1BF5;
	p2 =	por !p2, p0  }
0x20: {  	[sflag:s8] =	ssyncset.s32 @!p0 $0xFFFFF086;
	s6 =	sadd.s32 @!p0 s3, s7;
	s7 =	simm.s32 @!p0 $0x108  }
0x21: {  	s3 =	sadd.s32 s3, s9;
	s6 =	sadd.s32 @!p0 $0x88, s6;
	s7 =	simm.s32 @p2 $0x1082  }
0x22: {  	[simem:s7], [sflag:s8] =	dma.local @!p0 [hbm:s6], $0xF7A  }
0x23: {  	s9 =	sor.u32 $0xD0000000, s2;
	s6 =	simm.s32 $0x108;
	_ =	swait.ge @!p0 [sflag:s8], $0x0  }
0x24: {  	s3 =	sadd.s32 $0x88, s3;
	s6 =	simm.s32 @!p1 $0x1082;
	[sflag:s4] =	ssyncset.s32 $0xFFFFF086  }
0x25: {  	[simem:s6], [sflag:s4] =	dma.local [hbm:s3], $0xF7A  }
0x26: {  	[smem:$0x3F9C] =	sst s1;
	(tag) =	ssettag s2;
	_ =	strace s9  }
0x27: {  	s1 =	sld [smem:$0x3FAC]  }
0x28: {  	s2 =	sld [smem:$0x3FAD]  }
0x29: {  	s4 =	sld [smem:$0x3FAF]  }
0x2a: {  	p0 =	seq.s32 s5, $0x0;
	s5 =	sld [smem:$0x3FB0]  }
0x2b: {  	s6 =	sld [smem:$0x3FB1]  }
0x2c: {  	s7 =	sld [smem:$0x3FB2]  }
0x2d: {  	s3 =	simm.s32 $0x108;
	s8 =	sld [smem:$0x3FB3]  }
0x2e: {  	s3 =	simm.s32 @!p0 $0x1082;
	s9 =	sld [smem:$0x3FB4]  }
0x2f: {  	lr =	sadd.s32 s0, s3;
	s0 =	sld [smem:$0x3FAB]  }
0x30: {  	s3 =	sld [smem:$0x3FAE]  }
0x31: {  	[smem:$0x3FB7] =	sst s10  }
0x32: {  	s10 =	sld [smem:$0x3FB5];
	_ =	sdelay $0x3  }
0x33: {  	p0 =	seq.s32 s10, $0x1;
	s10 =	sld [smem:$0x3FB7];
	_ =	sdelay $0x3  }
0x34: {  	[smem:$0x3FB7] =	sst s10  }
0x35: {  	s10 =	sld [smem:$0x3FB6];
	_ =	sdelay $0x3  }
0x36: {  	p1 =	seq.s32 s10, $0x1;
	s10 =	sld [smem:$0x3FB7];
	_ =	sdelay $0x3  }
0x37: {  	[smem:$0x3FB7] =	sst s10  }
0x38: {  	s10 =	sld [smem:$0x3FB8]  }
0x39: {  	_ = 	snop;
	(pc) =	sbr.ind lr, $3  }
0x3a: {  	_ = 	snop  }
0x3b: {  	_ = 	snop  }
0x3c: {  	p2 =	seq.s32 s10, $0x1;
	s10 =	sld [smem:$0x3FB7]  }
0x3d: {  	_ =	shalt  }
0x3e: {  	_ =	shalt  }
0x3f: {  	_ =	shalt  }
0x40: {  	_ =	shalt  }
0x41: {  	_ =	shalt  }
0x42: {  	_ =	shalt  }
0x43: {  	_ =	shalt  }
0x44: {  	_ =	shalt  }
0x45: {  	_ =	shalt  }
0x46: {  	_ =	shalt  }
0x47: {  	_ =	shalt  }
0x48: {  	_ =	shalt  }
0x49: {  	_ =	shalt  }
0x4a: {  	_ =	shalt  }
0x4b: {  	_ =	shalt  }
0x4c: {  	_ =	shalt  }
0x4d: {  	_ =	shalt  }
0x4e: {  	_ =	shalt  }
0x4f: {  	_ =	shalt  }
0x50: {  	_ =	shalt  }
0x51: {  	_ =	shalt  }
0x52: {  	_ =	shalt  }
0x53: {  	_ =	shalt  }
0x54: {  	_ =	shalt  }
0x55: {  	_ =	shalt  }
0x56: {  	_ =	shalt  }
0x57: {  	_ =	shalt  }
0x58: {  	_ =	shalt  }
0x59: {  	_ =	shalt  }
0x5a: {  	_ =	shalt  }
0x5b: {  	_ =	shalt  }
0x5c: {  	_ =	shalt  }
0x5d: {  	_ =	shalt  }
0x5e: {  	_ =	shalt  }
0x5f: {  	_ =	shalt  }
0x60: {  	_ =	shalt  }
0x61: {  	_ =	shalt  }
0x62: {  	_ =	shalt  }
0x63: {  	_ =	shalt  }
0x64: {  	_ =	shalt  }
0x65: {  	_ =	shalt  }
0x66: {  	_ =	shalt  }
0x67: {  	_ =	shalt  }
0x68: {  	_ =	shalt  }
0x69: {  	_ =	shalt  }
0x6a: {  	_ =	shalt  }
0x6b: {  	_ =	shalt  }
0x6c: {  	_ =	shalt  }
0x6d: {  	_ =	shalt  }
0x6e: {  	_ =	shalt  }
0x6f: {  	_ =	shalt  }
0x70: {  	_ =	shalt  }
0x71: {  	_ =	shalt  }
0x72: {  	_ =	shalt  }
0x73: {  	_ =	shalt  }
0x74: {  	_ =	shalt  }
0x75: {  	_ =	shalt  }
0x76: {  	_ =	shalt  }
0x77: {  	_ =	shalt  }
0x78: {  	_ =	shalt  }
0x79: {  	_ =	shalt  }
0x7a: {  	_ =	shalt  }
0x7b: {  	_ =	shalt  }
0x7c: {  	_ =	shalt  }
0x7d: {  	_ =	shalt  }
0x7e: {  	_ =	shalt  }
0x7f: {  	_ =	shalt  }
0x80: {  	_ =	shalt  }
0x81: {  	_ =	shalt  }
0x82: {  	_ =	shalt  }
0x83: {  	_ =	shalt  }
0x84: {  	_ =	shalt  }
0x85: {  	_ =	shalt  }
0x86: {  	_ =	shalt  }
0x87: {  	_ =	shalt  }
.Lfunc_end0:
.L_simem_size_0:
called_computation_lowered:
.L_overlay_start_0:
0x88: {  	s2 =	sld [smem:$0x3FD9]  }
0x89: {  	s3 =	sld [smem:$0x3FFE];
	_ =	sdelay $0x1  }
0x8a: {  	s1 =	srdreg.scid  }
0x8b: {  	s0 =	sand.u32 $0x1, s1  }
0x8c: {  	s17 =	sshll.u32 s0, $0xA;
	s2 =	sadd.s32 s3, s2  }
0x8d: {  	s2 =	sadd.s32 s2, s17  }
0x8e: {  	[smem:$0x3FC3] =	sst s2  }
0x8f: {  	_ = 	snop  }
0x90: {  	s2 =	sld [smem:$0x3FD0];
	(tm) =	ssettm $0x1  }
0x91: {  	s18 =	sld [smem:$0x3FFB];
	_ =	sdelay $0x3  }
0x92: {  	_ =	strace s18  }
0x93: {  	s3 =	sld [smem:$0x3FFC];
	_ =	sdelay $0x3  }
0x94: {  	_ =	strace s3  }
0x95: {  	s3 =	sld [smem:$0x3FFD];
	_ =	sdelay $0x3  }
0x96: {  	_ =	strace s3  }
0x97: {  	_ =	strace $0x8FFFFFFF  }
0x98: {  	s19 =	sld [smem:$0x3FDB];
	_ =	sdelay $0x1  }
0x99: {  	s4 =	simm.s32 $_scs_section_size  }
0x9a: {  	s5 =	simm.s32 $_size__tile_overlayer_lowered;
	s6 =	simm.s32 $_tile_overlayer_lowered  }
0x9b: {  	s22 =	simm.s32 $0x1BFF;
	s21 =	sshll.u32 s6, $0x1;
	s3 =	sadd.s32 s4, s19  }
0x9c: {  	s7 =	simm.s32 $0x0;
	s20 =	sshll.u32 s5, $0x1;
	s5 =	sadd.s32 s21, s3  }
0x9d: {  	[timem:s7], [sflag:s22] =	dma.local [hbm:s5], s20  }
0x9e: {  	_ =	swait.ge [sflag:s22], s20  }
0x9f: {  	s4 =	ssub.s32 $0x0, s20;
	[sflag:s22] =	ssyncset.done $0x0  }
0xa0: {  	[sflag:s22] =	ssyncadd.s32 s4;
	_ =	sdelay $0x1  }
0xa1: {  	s23 =	simm.s32 $0x1B8B  }
0xa2: {  	_ =	swait.ge [sflag:s23], $0x1  }
0xa3: {  	[sflag:s23] =	ssyncset.done $0x0  }
0xa4: {  	s25 =	simm.s32 $0x1B8E;
	s24 =	sld [smem:$0x3FFE];
	[sflag:s23] =	ssyncadd.s32 $0xFFFFFFFF  }
0xa5: {  	s26 =	simm.s32 $execute0_lowered;
	[smem:$0x3FD2] =	sst s25  }
0xa6: {  	s5 =	sshll.u32 s26, $0x1;
	_ =	strace $0x80000046;
	[dreg:$0x1] =	wrdreg $0xFFFFFFFF  }
0xa7: {  	s28 =	simm.s32 $_size_execute0_lowered;
	s3 =	sadd.s32 s3, s5;
	[dreg:$0x0] =	wrdreg $0x0  }
0xa8: {  	s5 =	sshll.u32 s28, $0x1;
	[dreg:$0x2] =	wrdreg s3  }
0xa9: {  	[dreg:$0x3] =	wrdreg s5  }
0xaa: {  	[dreg:$0x4] =	wrdreg $0xC0  }
0xab: {  	_ =	task [dreg:s7], $0x5FFFF  }
0xac: {  	[dreg:$0x1] =	wrdreg $0xFFFFFFFF  }
0xad: {  	[dreg:$0x0] =	wrdreg $0x60  }
0xae: {  	[dreg:$0x2] =	wrdreg s24  }
0xaf: {  	[dreg:$0x3] =	wrdreg s2  }
0xb0: {  	[dreg:$0x4] =	wrdreg $0x9  }
0xb1: {  	_ =	task.clear_ibuf [dreg:s7], $0x5FFFF;
	_ =	strace $0x90000046  }
0xb2: {  	s29 =	simm.s32 $0x9;
	_ =	strace $0x80000048  }
0xb3: {  	_ =	swait.ge [sflag:s29], $0x1  }
0xb4: {  	[sflag:s29] =	ssyncadd.s32 $0xFFFFFFFF  }
0xb5: {  	_ =	strace $0x90000048  }
0xb6: {  	_ =	sfence  }
0xb7: {  	s30 =	sld [smem:$0x0];
	_ =	sdelay $0x2  }
0xb8: {  	s31 =	sshll.u32 s1, $0xD;
	s1 =	sshrl.u32 s1, $0x2  }
0xb9: {  	s3 =	sand.u32 $0x4000, s31;
	s1 =	sadd.s32 s1, s30  }
0xba: {  	s0 =	sor.u32 s3, s0;
	s1 =	sshll.u32 s1, $0x11  }
0xbb: {  	s0 =	sor.u32 s1, s0  }
0xbc: {  	s0 =	sadd.s32 $0x8F2B, s0  }
0xbd: {  	[sflag:s0] =	ssyncadd.remote.s32 $0x1  }
0xbe: {  	_ =	sfence.sel $0xFFFF  }
0xbf: {  	[dreg:$0x0] =	wrdreg $0xFFFFFFFF;
	(pc) =	sbr.abs _section_cstart, $3  }
0xc0: {  	[dreg:$0x1] =	wrdreg $0xFFFFFFFF  }
0xc1: {  	_ =	task.clear_ibuf [dreg:s7], $0x2FFFF;
	_ =	strace $0x9FFFFFFF  }
0xc2: {  	(tm) =	ssettm $0x7FFFFFFF  }
0xc3: {  	_ =	shalt  }
tec
execute0_lowered:
.L_overlay_start_1:
0x0: {  	(tag) =	ssettag $0x1  }
0x1: {  	s1 =	rddreg [dreg:$0x0]  }
0x2: {  	s3 =	srdreg.scid;
	s0 =	stileid.u32  }
0x3: {  	s2 =	rddreg [dreg:$0x1];
	s10 =	simm.s32 $0x5;
	s11 =	simm.s32 $0x50  }
0x4: {  	s12 =	simm.s32 $0x2A10;
	s13 =	simm.s32 $0x140;
	s14 =	simm.s32 $0x3E10  }
0x5: {  	s15 =	simm.s32 $0x280;
	s16 =	simm.s32 $0x5210;
	s17 =	simm.s32 $0x3C0  }
0x6: {  	s18 =	simm.s32 $0x6610;
	s19 =	simm.s32 $0x1;
	s20 =	simm.s32 $0x2  }
0x7: {  	s21 =	simm.s32 $0x3;
	s22 =	simm.s32 $0x4;
	s23 =	simm.s32 $0x0  }
0x8: {  	s4 =	sand.u32 $0x1, s3;
	s5 =	sshll.u32 s0, $0x1;
	s3 =	simm.s32 $0x0  }
.Ltmp0:
0x9: {  	s6 =	sor.u32 s4, s5;
	[smem:$0x7FF] =	sst s3;
	(pc) =	sbr.rel .LBB2_1-.Ltmp0, $4  }
0xa: {  	s7 =	ssub.s32 $0x2, s4;
	s4 =	sadd.s32 $0xB000, s1;
	s5 =	smul.u32 $0x500, s6  }
0xb: {  	_ =	strace $0x80000047;
	s8 =	sshrl.u32 s7, $0x1;
	s6 =	smul.u32 $0x140, s6  }
0xc: {  	s31 =	ssub.s32 s7, s8;
	s9 =	sadd.s32 s5, s1;
	s5 =	sadd.s32 $0xE00, s1  }
0xd: {  	s8 =	smax.u32 s31, $0x1;
	s7 =	sadd.s32 $0x1000, s9;
	s9 =	simm.s32 $0x2800  }
.LBB2_15:
0xe: {  	s23 =	sadd.s32 $0x1, s23  }
0xf: {  	p0 =	sne.s32 s23, s8  }
.Ltmp1:
0x10: {  	_ = 	snop;
	(pc) =	sbr.rel @!p0 .LBB2_16-.Ltmp1, $1  }
0x11: {  	_ =	sdelay $0x3  }
.LBB2_1:
0x12: {  	[tilespmem:s9], [sflag:$0x5] =	stream.linear.gather [hbm4b:s5+s3], $0x210, $0x38;
	[tilespmem:$0xA210] =	vst v63  }
0x13: {  	_ =	swait.ge [sflag:s10], $0x210  }
0x14: {  	[sflag:s10] =	ssyncset.done $0x0  }
0x15: {  	[sflag:s10] =	ssyncadd.s32 $0xFFFFFDF0  }
0x16: {  	[tilespmem:s3], [sflag:$0x5] =	stream.linear.gather [hbm4b:s7+s3], $0x2800, $0x38;
	[tilespmem:$0xA210] =	vst v63  }
0x17: {  	_ =	swait.ge [sflag:s10], $0x2800  }
0x18: {  	[sflag:s10] =	ssyncset.done $0x0  }
0x19: {  	[sflag:s10] =	ssyncadd.s32 $0xFFFFD800  }
0x1a: {  	[tilespmem:s12], [sflag:$0x1] =	stream.indirect.gather [hbm4b:s4+s11], $0x40, s3, s11, $0xb8;
	[tilespmem:$0xA210] =	vst v63  }
0x1b: {  	_ = 	snop  }
0x1c: {  	[tilespmem:s14], [sflag:$0x2] =	stream.indirect.gather [hbm4b:s4+s11], $0x40, s13, s11, $0xb8;
	[tilespmem:$0xA210] =	vst v63  }
.Ltmp2:
0x1d: {  	_ = 	snop;
	(pc) =	sbr.rel .LBB2_2-.Ltmp2, $4  }
0x1e: {  	_ = 	snop  }
0x1f: {  	[tilespmem:s16], [sflag:$0x3] =	stream.indirect.gather [hbm4b:s4+s11], $0x40, s15, s11, $0xb8;
	[tilespmem:$0xA210] =	vst v63  }
0x20: {  	s24 =	simm.s32 $0x0  }
0x21: {  	[tilespmem:s18], [sflag:$0x4] =	stream.indirect.gather [hbm4b:s4+s11], $0x40, s17, s11, $0xb8;
	[tilespmem:$0xA210] =	vst v63  }
.LBB2_14:
0x22: {  	s24 =	sadd.s32 $0x1, s24  }
0x23: {  	p0 =	sne.s32 s24, $0x20  }
.Ltmp3:
0x24: {  	_ = 	snop;
	(pc) =	sbr.rel @!p0 .LBB2_15-.Ltmp3, $1  }
0x25: {  	_ =	sdelay $0x3  }
.LBB2_2:
0x26: {  	_ =	swait.ge [sflag:s19], $0x1400  }
0x27: {  	s26 =	sshll.u32 s24, $0x2;
	[sflag:s19] =	ssyncset.done $0x0  }
0x28: {  	s1 =	simm.s32 $0x0;
	s25 =	sand.u32 $0x1C, s26;
	[sflag:s19] =	ssyncadd.s32 $0xFFFFEC00  }
0x29: {  	s28 =	sshll.u32 s25, $0x4;
	v1 =	vld [tilespmem:s1+$0x2A10]  }
0x2a: {  	v0 =	vld [tilespmem:s28+$0x2800]  }
0x2b: {  	s29 =	simm.s32 $0x7A50  }
0x2c: {  	v2 =	vld [tilespmem:s29+$0xFFFFFFC0]  }
0x2d: {  	v3 =	vld [tilespmem:s29+$0xFFFFFFD0]  }
0x2e: {  	v4 =	vunpack.i.l.bf16.f32 v1  }
0x2f: {  	v1 =	vunpack.i.u.bf16.f32 v1;
	v4 =	vmul.f32 v4, v0  }
0x30: {  	v1 =	vmul.f32 v1, v0  }
0x31: {  	v2 =	vadd.f32 v4, v2  }
0x32: {  	p1 =	seq.s32 s25, $0x0;
	v3 =	vadd.f32 v3, v1  }
0x33: {  	v2 =	vpsel p1, v4, v2  }
0x34: {  	v1 =	vpsel p1, v1, v3;
	[tilespmem:s29+$0xFFFFFFC0] =	vst v2  }
0x35: {  	[tilespmem:s29+$0xFFFFFFD0] =	vst v1  }
0x36: {  	v1 =	vld [tilespmem:s1+$0x2A20];
	_ =	sdelay $0x2  }
0x37: {  	v2 =	vld [tilespmem:s29+$0xFFFFFFE0]  }
0x38: {  	v3 =	vld [tilespmem:s29+$0xFFFFFFF0]  }
0x39: {  	v4 =	vunpack.i.l.bf16.f32 v1  }
0x3a: {  	v1 =	vunpack.i.u.bf16.f32 v1;
	v4 =	vmul.f32 v4, v0  }
0x3b: {  	v1 =	vmul.f32 v1, v0  }
0x3c: {  	v2 =	vadd.f32 v4, v2  }
0x3d: {  	v3 =	vadd.f32 v3, v1  }
0x3e: {  	v2 =	vpsel p1, v4, v2  }
0x3f: {  	v1 =	vpsel p1, v1, v3;
	[tilespmem:s29+$0xFFFFFFE0] =	vst v2  }
0x40: {  	[tilespmem:s29+$0xFFFFFFF0] =	vst v1  }
0x41: {  	v1 =	vld [tilespmem:s1+$0x2A30];
	_ =	sdelay $0x2  }
0x42: {  	v2 =	vld [tilespmem:s29+$0x0]  }
0x43: {  	v3 =	vld [tilespmem:s29+$0x10]  }
0x44: {  	v4 =	vunpack.i.l.bf16.f32 v1  }
0x45: {  	v1 =	vunpack.i.u.bf16.f32 v1;
	v4 =	vmul.f32 v4, v0  }
0x46: {  	v1 =	vmul.f32 v1, v0  }
0x47: {  	v2 =	vadd.f32 v4, v2  }
0x48: {  	v3 =	vadd.f32 v3, v1  }
0x49: {  	v2 =	vpsel p1, v4, v2  }
0x4a: {  	v1 =	vpsel p1, v1, v3;
	[tilespmem:s29+$0x0] =	vst v2  }
0x4b: {  	[tilespmem:s29+$0x10] =	vst v1  }
0x4c: {  	v2 =	vld [tilespmem:s1+$0x2A40];
	_ =	sdelay $0x1  }
0x4d: {  	v4 =	vld [tilespmem:s29+$0x30]  }
0x4e: {  	v1 =	vld [tilespmem:s29+$0x20];
	_ =	sdelay $0x1  }
0x4f: {  	v3 =	vunpack.i.u.bf16.f32 v2;
	v2 =	vunpack.i.l.bf16.f32 v2  }
0x50: {  	s31 =	simm.s32 $0x100;
	s30 =	simm.s32 $0x7A50;
	v2 =	vmul.f32 v2, v0;
	v3 =	vmul.f32 v3, v0  }
.LBB2_3:
0x51: {  	p0 =	sne.s32 s31, $0x4F00  }
0x52: {  	s29 =	sadd.s32 $0x80, s29;
	s1 =	smov.u32 s31;
	s31 =	sadd.s32 $0x100, s31;
	v1 =	vadd.f32 v2, v1;
	v4 =	vadd.f32 v4, v3  }
0x53: {  	_ = 	snop  }
0x54: {  	v1 =	vpsel p1, v2, v1;
	v2 =	vpsel p1, v3, v4  }
0x55: {  	[tilespmem:s30+$0x20] =	vst v1  }
0x56: {  	s1 =	sshra.s32 s1, $0x2;
	[tilespmem:s30+$0x30] =	vst v2;
	s30 =	smov.u32 s29  }
0x57: {  	v1 =	vld [tilespmem:s1+$0x2A10];
	_ =	sdelay $0x1  }
0x58: {  	v2 =	vld [tilespmem:s29+$0xFFFFFFD0]  }
0x59: {  	v3 =	vld [tilespmem:s29+$0xFFFFFFC0];
	_ =	sdelay $0x1  }
0x5a: {  	v4 =	vunpack.i.u.bf16.f32 v1;
	v1 =	vunpack.i.l.bf16.f32 v1  }
0x5b: {  	v1 =	vmul.f32 v1, v0;
	v4 =	vmul.f32 v4, v0;
	_ =	sdelay $0x1  }
0x5c: {  	v3 =	vadd.f32 v1, v3;
	v2 =	vadd.f32 v2, v4;
	_ =	sdelay $0x1  }
0x5d: {  	v1 =	vpsel p1, v1, v3;
	v2 =	vpsel p1, v4, v2  }
0x5e: {  	[tilespmem:s29+$0xFFFFFFC0] =	vst v1  }
0x5f: {  	[tilespmem:s29+$0xFFFFFFD0] =	vst v2  }
0x60: {  	v1 =	vld [tilespmem:s1+$0x2A20];
	_ =	sdelay $0x1  }
0x61: {  	v2 =	vld [tilespmem:s29+$0xFFFFFFF0]  }
0x62: {  	v3 =	vld [tilespmem:s29+$0xFFFFFFE0];
	_ =	sdelay $0x1  }
0x63: {  	v4 =	vunpack.i.u.bf16.f32 v1;
	v1 =	vunpack.i.l.bf16.f32 v1  }
0x64: {  	v1 =	vmul.f32 v1, v0;
	v4 =	vmul.f32 v4, v0;
	_ =	sdelay $0x1  }
0x65: {  	v3 =	vadd.f32 v1, v3;
	v2 =	vadd.f32 v2, v4;
	_ =	sdelay $0x1  }
0x66: {  	v1 =	vpsel p1, v1, v3;
	v2 =	vpsel p1, v4, v2  }
0x67: {  	[tilespmem:s29+$0xFFFFFFE0] =	vst v1  }
0x68: {  	[tilespmem:s29+$0xFFFFFFF0] =	vst v2  }
0x69: {  	v1 =	vld [tilespmem:s1+$0x2A30];
	_ =	sdelay $0x1  }
0x6a: {  	v2 =	vld [tilespmem:s29+$0x10]  }
0x6b: {  	v3 =	vld [tilespmem:s29+$0x0];
	_ =	sdelay $0x1  }
0x6c: {  	v4 =	vunpack.i.u.bf16.f32 v1;
	v1 =	vunpack.i.l.bf16.f32 v1  }
0x6d: {  	v1 =	vmul.f32 v1, v0;
	v4 =	vmul.f32 v4, v0;
	_ =	sdelay $0x1  }
0x6e: {  	v3 =	vadd.f32 v1, v3;
	v2 =	vadd.f32 v2, v4;
	_ =	sdelay $0x1  }
0x6f: {  	v1 =	vpsel p1, v1, v3;
	v2 =	vpsel p1, v4, v2  }
0x70: {  	[tilespmem:s29+$0x0] =	vst v1  }
0x71: {  	[tilespmem:s29+$0x10] =	vst v2  }
0x72: {  	v2 =	vld [tilespmem:s1+$0x2A40];
	_ =	sdelay $0x1  }
.Ltmp4:
0x73: {  	v1 =	vld [tilespmem:s29+$0x20];
	(pc) =	sbr.rel @p0 .LBB2_3-.Ltmp4, $3  }
0x74: {  	v4 =	vld [tilespmem:s29+$0x30];
	_ =	sdelay $0x1  }
0x75: {  	v3 =	vunpack.i.u.bf16.f32 v2;
	v2 =	vunpack.i.l.bf16.f32 v2  }
0x76: {  	v2 =	vmul.f32 v2, v0;
	v3 =	vmul.f32 v3, v0  }
0x77: {  	p0 =	seq.s32 s24, $0x1F  }
0x78: {  	s1 =	sadd.s32 @!p0 $0x4, s26  }
0x79: {  	s29 =	sand.u32 @!p0 $0x1C, s1  }
0x7a: {  	v0 =	vadd.f32 v2, v1;
	s1 =	sshrl.u32 @!p0 s1, $0x5;
	s29 =	smul.u32 @!p0 $0x500, s29  }
0x7b: {  	v1 =	vadd.f32 v4, v3;
	s1 =	smul.u32 @!p0 $0x140, s1  }
0x7c: {  	v0 =	vpsel p1, v2, v0  }
0x7d: {  	v1 =	vpsel p1, v3, v1;
	[tilespmem:s30+$0x20] =	vst v0;
	s29 =	sshrl.u32 @!p0 s29, $0x2;
	s1 =	sshra.s32 @!p0 s1, $0x2  }
0x7e: {  	[tilespmem:s30+$0x30] =	vst v1;
	s30 =	simm.s32 @!p0 $0x2A10;
	s1 =	sadd.s32 @!p0 s1, s29;
	s29 =	simm.s32 @!p0 $0x50  }
0x7f: {  	[tilespmem:s30], [sflag:$0x1] =	stream.indirect.gather @!p0 [hbm4b:s4+s29], $0x40, s1, s29, $0xb8;
	[tilespmem:$0xA210] =	vst v63  }
0x80: {  	_ =	swait.ge [sflag:s20], $0x1400  }
0x81: {  	[sflag:s20] =	ssyncset.done $0x0  }
0x82: {  	s31 =	simm.s32 $0x0;
	s1 =	sshll.u32 s24, $0x6;
	[sflag:s20] =	ssyncadd.s32 $0xFFFFEC00  }
0x83: {  	s29 =	sand.u32 $0x1C0, s1;
	v1 =	vld [tilespmem:s31+$0x3E10]  }
0x84: {  	v0 =	vld [tilespmem:s29+$0x2810]  }
0x85: {  	s30 =	simm.s32 $0x7A50  }
0x86: {  	v2 =	vld [tilespmem:s30+$0xFFFFFFC0]  }
0x87: {  	v3 =	vld [tilespmem:s30+$0xFFFFFFD0]  }
0x88: {  	v60 =	vunpack.i.l.bf16.f32 v1  }
0x89: {  	v1 =	vunpack.i.u.bf16.f32 v1;
	v4 =	vmul.f32 v60, v0  }
0x8a: {  	v1 =	vmul.f32 v1, v0  }
0x8b: {  	v2 =	vadd.f32 v4, v2  }
0x8c: {  	v1 =	vadd.f32 v3, v1  }
0x8d: {  	[tilespmem:s30+$0xFFFFFFC0] =	vst v2  }
0x8e: {  	[tilespmem:s30+$0xFFFFFFD0] =	vst v1  }
0x8f: {  	v1 =	vld [tilespmem:s31+$0x3E20];
	_ =	sdelay $0x2  }
0x90: {  	v2 =	vld [tilespmem:s30+$0xFFFFFFE0]  }
0x91: {  	v3 =	vld [tilespmem:s30+$0xFFFFFFF0]  }
0x92: {  	v61 =	vunpack.i.l.bf16.f32 v1  }
0x93: {  	v1 =	vunpack.i.u.bf16.f32 v1;
	v4 =	vmul.f32 v61, v0  }
0x94: {  	v1 =	vmul.f32 v1, v0  }
0x95: {  	v2 =	vadd.f32 v4, v2  }
0x96: {  	v1 =	vadd.f32 v3, v1  }
0x97: {  	[tilespmem:s30+$0xFFFFFFE0] =	vst v2  }
0x98: {  	[tilespmem:s30+$0xFFFFFFF0] =	vst v1  }
0x99: {  	v1 =	vld [tilespmem:s31+$0x3E30];
	_ =	sdelay $0x2  }
0x9a: {  	v2 =	vld [tilespmem:s30+$0x10]  }
0x9b: {  	v3 =	vld [tilespmem:s30+$0x0]  }
0x9c: {  	v62 =	vunpack.i.u.bf16.f32 v1  }
0x9d: {  	v1 =	vunpack.i.l.bf16.f32 v1;
	v4 =	vmul.f32 v62, v0  }
0x9e: {  	v1 =	vmul.f32 v1, v0  }
0x9f: {  	v2 =	vadd.f32 v2, v4  }
0xa0: {  	v1 =	vadd.f32 v1, v3  }
0xa1: {  	[tilespmem:s30+$0x10] =	vst v2  }
0xa2: {  	[tilespmem:s30+$0x0] =	vst v1  }
0xa3: {  	v1 =	vld [tilespmem:s31+$0x3E40];
	_ =	sdelay $0x2  }
0xa4: {  	v2 =	vld [tilespmem:s30+$0x20]  }
0xa5: {  	v3 =	vld [tilespmem:s30+$0x30]  }
0xa6: {  	v63 =	vunpack.i.l.bf16.f32 v1  }
0xa7: {  	v1 =	vunpack.i.u.bf16.f32 v1;
	v4 =	vmul.f32 v63, v0  }
0xa8: {  	v1 =	vmul.f32 v1, v0  }
0xa9: {  	v2 =	vadd.f32 v4, v2  }
0xaa: {  	v1 =	vadd.f32 v3, v1  }
0xab: {  	[tilespmem:s30+$0x20] =	vst v2  }
0xac: {  	s31 =	simm.s32 $0x40;
	[tilespmem:s30+$0x30] =	vst v1  }
0xad: {  	v1 =	vld [tilespmem:s31+$0x3E10]  }
0xae: {  	s1 =	simm.s32 $0x200  }
.LBB2_5:
0xaf: {  	p1 =	sne.s32 s1, $0x4F00;
	s30 =	sadd.s32 $0x80, s30  }
0xb0: {  	v2 =	vld [tilespmem:s30+$0xFFFFFFC0]  }
0xb1: {  	v3 =	vld [tilespmem:s30+$0xFFFFFFD0]  }
0xb2: {  	v4 =	vunpack.i.l.bf16.f32 v1  }
0xb3: {  	v1 =	vunpack.i.u.bf16.f32 v1;
	v4 =	vmul.f32 v4, v0  }
0xb4: {  	v1 =	vmul.f32 v1, v0  }
0xb5: {  	v2 =	vadd.f32 v4, v2  }
0xb6: {  	v1 =	vadd.f32 v3, v1  }
0xb7: {  	[tilespmem:s30+$0xFFFFFFC0] =	vst v2  }
0xb8: {  	[tilespmem:s30+$0xFFFFFFD0] =	vst v1  }
0xb9: {  	v1 =	vld [tilespmem:s31+$0x3E20];
	_ =	sdelay $0x2  }
0xba: {  	v2 =	vld [tilespmem:s30+$0xFFFFFFE0]  }
0xbb: {  	v3 =	vld [tilespmem:s30+$0xFFFFFFF0]  }
0xbc: {  	v4 =	vunpack.i.l.bf16.f32 v1  }
0xbd: {  	v1 =	vunpack.i.u.bf16.f32 v1;
	v4 =	vmul.f32 v4, v0  }
0xbe: {  	v1 =	vmul.f32 v1, v0  }
0xbf: {  	v2 =	vadd.f32 v4, v2  }
0xc0: {  	v1 =	vadd.f32 v3, v1  }
0xc1: {  	[tilespmem:s30+$0xFFFFFFE0] =	vst v2  }
0xc2: {  	[tilespmem:s30+$0xFFFFFFF0] =	vst v1  }
0xc3: {  	v1 =	vld [tilespmem:s31+$0x3E30];
	_ =	sdelay $0x1  }
0xc4: {  	v2 =	vld [tilespmem:s30+$0x10]  }
0xc5: {  	v3 =	vld [tilespmem:s30+$0x0];
	_ =	sdelay $0x1  }
0xc6: {  	v4 =	vunpack.i.u.bf16.f32 v1;
	v1 =	vunpack.i.l.bf16.f32 v1  }
0xc7: {  	v1 =	vmul.f32 v1, v0;
	v4 =	vmul.f32 v4, v0;
	_ =	sdelay $0x1  }
0xc8: {  	v1 =	vadd.f32 v1, v3;
	v2 =	vadd.f32 v2, v4;
	_ =	sdelay $0x1  }
0xc9: {  	[tilespmem:s30+$0x10] =	vst v2  }
0xca: {  	[tilespmem:s30+$0x0] =	vst v1  }
0xcb: {  	v1 =	vld [tilespmem:s31+$0x3E40];
	_ =	sdelay $0x1  }
0xcc: {  	v2 =	vld [tilespmem:s30+$0x30]  }
0xcd: {  	v3 =	vld [tilespmem:s30+$0x20];
	_ =	sdelay $0x1  }
0xce: {  	v4 =	vunpack.i.u.bf16.f32 v1;
	v1 =	vunpack.i.l.bf16.f32 v1  }
0xcf: {  	v1 =	vmul.f32 v1, v0;
	v4 =	vmul.f32 v4, v0;
	_ =	sdelay $0x1  }
0xd0: {  	v1 =	vadd.f32 v1, v3;
	v2 =	vadd.f32 v2, v4  }
.Ltmp5:
0xd1: {  	(pc) =	sbr.rel @p1 .LBB2_5-.Ltmp5, $4  }
0xd2: {  	[tilespmem:s30+$0x20] =	vst v1  }
0xd3: {  	s31 =	sshra.s32 s1, $0x2;
	[tilespmem:s30+$0x30] =	vst v2  }
0xd4: {  	v1 =	vld [tilespmem:s31+$0x3E10]  }
0xd5: {  	s1 =	sadd.s32 $0x100, s1  }
0xd6: {  	s1 =	sadd.s32 $0x80, s30  }
0xd7: {  	v2 =	vld [tilespmem:s1+$0xFFFFFFC0]  }
0xd8: {  	v3 =	vld [tilespmem:s1+$0xFFFFFFD0]  }
0xd9: {  	v4 =	vunpack.i.l.bf16.f32 v1  }
0xda: {  	v1 =	vunpack.i.u.bf16.f32 v1;
	v4 =	vmul.f32 v4, v0  }
0xdb: {  	v1 =	vmul.f32 v1, v0  }
0xdc: {  	v2 =	vadd.f32 v4, v2  }
0xdd: {  	v1 =	vadd.f32 v3, v1  }
0xde: {  	[tilespmem:s1+$0xFFFFFFC0] =	vst v2  }
0xdf: {  	[tilespmem:s1+$0xFFFFFFD0] =	vst v1  }
0xe0: {  	v1 =	vld [tilespmem:s31+$0x3E20];
	_ =	sdelay $0x2  }
0xe1: {  	v2 =	vld [tilespmem:s1+$0xFFFFFFE0]  }
0xe2: {  	v3 =	vld [tilespmem:s1+$0xFFFFFFF0]  }
0xe3: {  	v57 =	vunpack.i.l.bf16.f32 v1  }
0xe4: {  	v1 =	vunpack.i.u.bf16.f32 v1;
	v4 =	vmul.f32 v57, v0  }
0xe5: {  	v1 =	vmul.f32 v1, v0  }
0xe6: {  	v2 =	vadd.f32 v4, v2  }
0xe7: {  	v1 =	vadd.f32 v3, v1  }
0xe8: {  	[tilespmem:s1+$0xFFFFFFE0] =	vst v2  }
0xe9: {  	[tilespmem:s1+$0xFFFFFFF0] =	vst v1  }
0xea: {  	v1 =	vld [tilespmem:s31+$0x3E30];
	_ =	sdelay $0x2  }
0xeb: {  	v2 =	vld [tilespmem:s1+$0x10]  }
0xec: {  	v3 =	vld [tilespmem:s1+$0x0]  }
0xed: {  	v58 =	vunpack.i.u.bf16.f32 v1  }
0xee: {  	v1 =	vunpack.i.l.bf16.f32 v1;
	v4 =	vmul.f32 v58, v0  }
0xef: {  	v1 =	vmul.f32 v1, v0  }
0xf0: {  	v2 =	vadd.f32 v2, v4  }
0xf1: {  	v1 =	vadd.f32 v1, v3  }
0xf2: {  	[tilespmem:s1+$0x10] =	vst v2  }
0xf3: {  	[tilespmem:s1+$0x0] =	vst v1  }
0xf4: {  	v1 =	vld [tilespmem:s31+$0x3E40];
	_ =	sdelay $0x2  }
0xf5: {  	v2 =	vld [tilespmem:s1+$0x20]  }
0xf6: {  	v3 =	vld [tilespmem:s1+$0x30]  }
0xf7: {  	s30 =	sadd.s32 @!p0 $0x5, s26;
	v59 =	vunpack.i.l.bf16.f32 v1  }
0xf8: {  	s31 =	sand.u32 @!p0 $0x1D, s30;
	v1 =	vunpack.i.u.bf16.f32 v1;
	v4 =	vmul.f32 v59, v0  }
0xf9: {  	s30 =	sshrl.u32 @!p0 s30, $0x5;
	s31 =	smul.u32 @!p0 $0x500, s31;
	v0 =	vmul.f32 v1, v0  }
0xfa: {  	s30 =	smul.u32 @!p0 $0x140, s30;
	v1 =	vadd.f32 v4, v2  }
0xfb: {  	v0 =	vadd.f32 v3, v0  }
0xfc: {  	s31 =	sshrl.u32 @!p0 s31, $0x2;
	s30 =	sshra.s32 @!p0 s30, $0x2;
	[tilespmem:s1+$0x20] =	vst v1  }
0xfd: {  	[tilespmem:s1+$0x30] =	vst v0;
	s1 =	sadd.s32 @!p0 s30, s31;
	s30 =	simm.s32 @!p0 $0x50;
	s31 =	simm.s32 @!p0 $0x3E10  }
0xfe: {  	[tilespmem:s31], [sflag:$0x2] =	stream.indirect.gather @!p0 [hbm4b:s4+s30], $0x40, s1, s30, $0xb8;
	[tilespmem:$0xA210] =	vst v63  }
0xff: {  	_ =	swait.ge [sflag:s21], $0x1400  }
0x100: {  	[sflag:s21] =	ssyncset.done $0x0  }
0x101: {  	s31 =	simm.s32 $0x0;
	[sflag:s21] =	ssyncadd.s32 $0xFFFFEC00  }
0x102: {  	v1 =	vld [tilespmem:s31+$0x5210]  }
0x103: {  	v0 =	vld [tilespmem:s29+$0x2820]  }
0x104: {  	s29 =	simm.s32 $0x7A50  }
0x105: {  	v2 =	vld [tilespmem:s29+$0xFFFFFFC0]  }
0x106: {  	v3 =	vld [tilespmem:s29+$0xFFFFFFD0]  }
0x107: {  	v60 =	vunpack.i.l.bf16.f32 v1  }
0x108: {  	v1 =	vunpack.i.u.bf16.f32 v1;
	v4 =	vmul.f32 v60, v0  }
0x109: {  	v1 =	vmul.f32 v1, v0  }
0x10a: {  	v2 =	vadd.f32 v4, v2  }
0x10b: {  	v1 =	vadd.f32 v3, v1  }
0x10c: {  	[tilespmem:s29+$0xFFFFFFC0] =	vst v2  }
0x10d: {  	[tilespmem:s29+$0xFFFFFFD0] =	vst v1  }
0x10e: {  	v1 =	vld [tilespmem:s31+$0x5220];
	_ =	sdelay $0x2  }
0x10f: {  	v2 =	vld [tilespmem:s29+$0xFFFFFFE0]  }
0x110: {  	v3 =	vld [tilespmem:s29+$0xFFFFFFF0]  }
0x111: {  	v61 =	vunpack.i.l.bf16.f32 v1  }
0x112: {  	v1 =	vunpack.i.u.bf16.f32 v1;
	v4 =	vmul.f32 v61, v0  }
0x113: {  	v1 =	vmul.f32 v1, v0  }
0x114: {  	v2 =	vadd.f32 v4, v2  }
0x115: {  	v1 =	vadd.f32 v3, v1  }
0x116: {  	[tilespmem:s29+$0xFFFFFFE0] =	vst v2  }
0x117: {  	[tilespmem:s29+$0xFFFFFFF0] =	vst v1  }
0x118: {  	v1 =	vld [tilespmem:s31+$0x5230];
	_ =	sdelay $0x2  }
0x119: {  	v2 =	vld [tilespmem:s29+$0x10]  }
0x11a: {  	v3 =	vld [tilespmem:s29+$0x0]  }
0x11b: {  	v62 =	vunpack.i.u.bf16.f32 v1  }
0x11c: {  	v1 =	vunpack.i.l.bf16.f32 v1;
	v4 =	vmul.f32 v62, v0  }
0x11d: {  	v1 =	vmul.f32 v1, v0  }
0x11e: {  	v2 =	vadd.f32 v2, v4  }
0x11f: {  	v1 =	vadd.f32 v1, v3  }
0x120: {  	[tilespmem:s29+$0x10] =	vst v2  }
0x121: {  	[tilespmem:s29+$0x0] =	vst v1  }
0x122: {  	v1 =	vld [tilespmem:s31+$0x5240];
	_ =	sdelay $0x2  }
0x123: {  	v2 =	vld [tilespmem:s29+$0x20]  }
0x124: {  	v3 =	vld [tilespmem:s29+$0x30]  }
0x125: {  	v63 =	vunpack.i.l.bf16.f32 v1  }
0x126: {  	v1 =	vunpack.i.u.bf16.f32 v1;
	v4 =	vmul.f32 v63, v0  }
0x127: {  	v1 =	vmul.f32 v1, v0  }
0x128: {  	v2 =	vadd.f32 v4, v2  }
0x129: {  	v1 =	vadd.f32 v3, v1  }
0x12a: {  	[tilespmem:s29+$0x20] =	vst v2  }
0x12b: {  	s30 =	simm.s32 $0x40;
	[tilespmem:s29+$0x30] =	vst v1  }
0x12c: {  	v1 =	vld [tilespmem:s30+$0x5210]  }
0x12d: {  	s1 =	simm.s32 $0x200  }
.LBB2_7:
0x12e: {  	p1 =	sne.s32 s1, $0x4F00;
	s29 =	sadd.s32 $0x80, s29  }
0x12f: {  	v2 =	vld [tilespmem:s29+$0xFFFFFFC0]  }
0x130: {  	v3 =	vld [tilespmem:s29+$0xFFFFFFD0]  }
0x131: {  	v4 =	vunpack.i.l.bf16.f32 v1  }
0x132: {  	v1 =	vunpack.i.u.bf16.f32 v1;
	v4 =	vmul.f32 v4, v0  }
0x133: {  	v1 =	vmul.f32 v1, v0  }
0x134: {  	v2 =	vadd.f32 v4, v2  }
0x135: {  	v1 =	vadd.f32 v3, v1  }
0x136: {  	[tilespmem:s29+$0xFFFFFFC0] =	vst v2  }
0x137: {  	[tilespmem:s29+$0xFFFFFFD0] =	vst v1  }
0x138: {  	v1 =	vld [tilespmem:s30+$0x5220];
	_ =	sdelay $0x2  }
0x139: {  	v2 =	vld [tilespmem:s29+$0xFFFFFFE0]  }
0x13a: {  	v3 =	vld [tilespmem:s29+$0xFFFFFFF0]  }
0x13b: {  	v4 =	vunpack.i.l.bf16.f32 v1  }
0x13c: {  	v1 =	vunpack.i.u.bf16.f32 v1;
	v4 =	vmul.f32 v4, v0  }
0x13d: {  	v1 =	vmul.f32 v1, v0  }
0x13e: {  	v2 =	vadd.f32 v4, v2  }
0x13f: {  	v1 =	vadd.f32 v3, v1  }
0x140: {  	[tilespmem:s29+$0xFFFFFFE0] =	vst v2  }
0x141: {  	[tilespmem:s29+$0xFFFFFFF0] =	vst v1  }
0x142: {  	v1 =	vld [tilespmem:s30+$0x5230];
	_ =	sdelay $0x1  }
0x143: {  	v2 =	vld [tilespmem:s29+$0x10]  }
0x144: {  	v3 =	vld [tilespmem:s29+$0x0];
	_ =	sdelay $0x1  }
0x145: {  	v4 =	vunpack.i.u.bf16.f32 v1;
	v1 =	vunpack.i.l.bf16.f32 v1  }
0x146: {  	v1 =	vmul.f32 v1, v0;
	v4 =	vmul.f32 v4, v0;
	_ =	sdelay $0x1  }
0x147: {  	v1 =	vadd.f32 v1, v3;
	v2 =	vadd.f32 v2, v4;
	_ =	sdelay $0x1  }
0x148: {  	[tilespmem:s29+$0x10] =	vst v2  }
0x149: {  	[tilespmem:s29+$0x0] =	vst v1  }
0x14a: {  	v1 =	vld [tilespmem:s30+$0x5240];
	_ =	sdelay $0x1  }
0x14b: {  	v2 =	vld [tilespmem:s29+$0x30]  }
0x14c: {  	v3 =	vld [tilespmem:s29+$0x20];
	_ =	sdelay $0x1  }
0x14d: {  	v4 =	vunpack.i.u.bf16.f32 v1;
	v1 =	vunpack.i.l.bf16.f32 v1  }
0x14e: {  	v1 =	vmul.f32 v1, v0;
	v4 =	vmul.f32 v4, v0;
	_ =	sdelay $0x1  }
0x14f: {  	v1 =	vadd.f32 v1, v3;
	v2 =	vadd.f32 v2, v4  }
.Ltmp6:
0x150: {  	(pc) =	sbr.rel @p1 .LBB2_7-.Ltmp6, $4  }
0x151: {  	[tilespmem:s29+$0x20] =	vst v1  }
0x152: {  	s30 =	sshra.s32 s1, $0x2;
	[tilespmem:s29+$0x30] =	vst v2  }
0x153: {  	v1 =	vld [tilespmem:s30+$0x5210]  }
0x154: {  	s1 =	sadd.s32 $0x100, s1  }
0x155: {  	s1 =	sadd.s32 $0x80, s29  }
0x156: {  	v2 =	vld [tilespmem:s1+$0xFFFFFFC0]  }
0x157: {  	v3 =	vld [tilespmem:s1+$0xFFFFFFD0]  }
0x158: {  	v4 =	vunpack.i.l.bf16.f32 v1  }
0x159: {  	v1 =	vunpack.i.u.bf16.f32 v1;
	v4 =	vmul.f32 v4, v0  }
0x15a: {  	v1 =	vmul.f32 v1, v0  }
0x15b: {  	v2 =	vadd.f32 v4, v2  }
0x15c: {  	v1 =	vadd.f32 v3, v1  }
0x15d: {  	[tilespmem:s1+$0xFFFFFFC0] =	vst v2  }
0x15e: {  	[tilespmem:s1+$0xFFFFFFD0] =	vst v1  }
0x15f: {  	v1 =	vld [tilespmem:s30+$0x5220];
	_ =	sdelay $0x2  }
0x160: {  	v2 =	vld [tilespmem:s1+$0xFFFFFFE0]  }
0x161: {  	v3 =	vld [tilespmem:s1+$0xFFFFFFF0]  }
0x162: {  	v57 =	vunpack.i.l.bf16.f32 v1  }
0x163: {  	v1 =	vunpack.i.u.bf16.f32 v1;
	v4 =	vmul.f32 v57, v0  }
0x164: {  	v1 =	vmul.f32 v1, v0  }
0x165: {  	v2 =	vadd.f32 v4, v2  }
0x166: {  	v1 =	vadd.f32 v3, v1  }
0x167: {  	[tilespmem:s1+$0xFFFFFFE0] =	vst v2  }
0x168: {  	[tilespmem:s1+$0xFFFFFFF0] =	vst v1  }
0x169: {  	v1 =	vld [tilespmem:s30+$0x5230];
	_ =	sdelay $0x2  }
0x16a: {  	v2 =	vld [tilespmem:s1+$0x10]  }
0x16b: {  	v3 =	vld [tilespmem:s1+$0x0]  }
0x16c: {  	v58 =	vunpack.i.u.bf16.f32 v1  }
0x16d: {  	v1 =	vunpack.i.l.bf16.f32 v1;
	v4 =	vmul.f32 v58, v0  }
0x16e: {  	v1 =	vmul.f32 v1, v0  }
0x16f: {  	v2 =	vadd.f32 v2, v4  }
0x170: {  	v1 =	vadd.f32 v1, v3  }
0x171: {  	[tilespmem:s1+$0x10] =	vst v2  }
0x172: {  	[tilespmem:s1+$0x0] =	vst v1  }
0x173: {  	v1 =	vld [tilespmem:s30+$0x5240];
	_ =	sdelay $0x2  }
0x174: {  	v2 =	vld [tilespmem:s1+$0x20]  }
0x175: {  	v3 =	vld [tilespmem:s1+$0x30]  }
0x176: {  	s29 =	sadd.s32 @!p0 $0x6, s26;
	v59 =	vunpack.i.l.bf16.f32 v1  }
0x177: {  	s30 =	sand.u32 @!p0 $0x1E, s29;
	v1 =	vunpack.i.u.bf16.f32 v1;
	v4 =	vmul.f32 v59, v0  }
0x178: {  	s29 =	sshrl.u32 @!p0 s29, $0x5;
	s30 =	smul.u32 @!p0 $0x500, s30;
	v0 =	vmul.f32 v1, v0  }
0x179: {  	s29 =	smul.u32 @!p0 $0x140, s29;
	v1 =	vadd.f32 v4, v2  }
0x17a: {  	v0 =	vadd.f32 v3, v0  }
0x17b: {  	s30 =	sshrl.u32 @!p0 s30, $0x2;
	s29 =	sshra.s32 @!p0 s29, $0x2;
	[tilespmem:s1+$0x20] =	vst v1  }
0x17c: {  	[tilespmem:s1+$0x30] =	vst v0;
	s1 =	sadd.s32 @!p0 s29, s30;
	s29 =	simm.s32 @!p0 $0x50;
	s30 =	simm.s32 @!p0 $0x5210  }
0x17d: {  	[tilespmem:s30], [sflag:$0x3] =	stream.indirect.gather @!p0 [hbm4b:s4+s29], $0x40, s1, s29, $0xb8;
	[tilespmem:$0xA210] =	vst v63  }
0x17e: {  	_ =	swait.ge [sflag:s22], $0x1400  }
0x17f: {  	[sflag:s22] =	ssyncset.done $0x0  }
0x180: {  	s31 =	simm.s32 $0x0;
	[sflag:s22] =	ssyncadd.s32 $0xFFFFEC00  }
0x181: {  	v1 =	vld [tilespmem:s31+$0x6610]  }
0x182: {  	v0 =	vld [tilespmem:s28+$0x2830]  }
0x183: {  	s28 =	simm.s32 $0x7A50  }
0x184: {  	v2 =	vld [tilespmem:s28+$0xFFFFFFC0]  }
0x185: {  	v3 =	vld [tilespmem:s28+$0xFFFFFFD0]  }
0x186: {  	v60 =	vunpack.i.l.bf16.f32 v1  }
0x187: {  	v1 =	vunpack.i.u.bf16.f32 v1;
	v4 =	vmul.f32 v60, v0  }
0x188: {  	v1 =	vmul.f32 v1, v0  }
0x189: {  	v2 =	vadd.f32 v4, v2  }
0x18a: {  	v1 =	vadd.f32 v3, v1  }
0x18b: {  	[tilespmem:s28+$0xFFFFFFC0] =	vst v2  }
0x18c: {  	[tilespmem:s28+$0xFFFFFFD0] =	vst v1  }
0x18d: {  	v1 =	vld [tilespmem:s31+$0x6620];
	_ =	sdelay $0x2  }
0x18e: {  	v2 =	vld [tilespmem:s28+$0xFFFFFFE0]  }
0x18f: {  	v3 =	vld [tilespmem:s28+$0xFFFFFFF0]  }
0x190: {  	v61 =	vunpack.i.l.bf16.f32 v1  }
0x191: {  	v1 =	vunpack.i.u.bf16.f32 v1;
	v4 =	vmul.f32 v61, v0  }
0x192: {  	v1 =	vmul.f32 v1, v0  }
0x193: {  	v2 =	vadd.f32 v4, v2  }
0x194: {  	v1 =	vadd.f32 v3, v1  }
0x195: {  	[tilespmem:s28+$0xFFFFFFE0] =	vst v2  }
0x196: {  	[tilespmem:s28+$0xFFFFFFF0] =	vst v1  }
0x197: {  	v1 =	vld [tilespmem:s31+$0x6630];
	_ =	sdelay $0x2  }
0x198: {  	v2 =	vld [tilespmem:s28+$0x10]  }
0x199: {  	v3 =	vld [tilespmem:s28+$0x0]  }
0x19a: {  	v62 =	vunpack.i.u.bf16.f32 v1  }
0x19b: {  	v1 =	vunpack.i.l.bf16.f32 v1;
	v4 =	vmul.f32 v62, v0  }
0x19c: {  	v1 =	vmul.f32 v1, v0  }
0x19d: {  	v2 =	vadd.f32 v2, v4  }
0x19e: {  	v1 =	vadd.f32 v1, v3  }
0x19f: {  	[tilespmem:s28+$0x10] =	vst v2  }
0x1a0: {  	[tilespmem:s28+$0x0] =	vst v1  }
0x1a1: {  	v1 =	vld [tilespmem:s31+$0x6640];
	_ =	sdelay $0x2  }
0x1a2: {  	v2 =	vld [tilespmem:s28+$0x20]  }
0x1a3: {  	v3 =	vld [tilespmem:s28+$0x30]  }
0x1a4: {  	v63 =	vunpack.i.l.bf16.f32 v1  }
0x1a5: {  	v1 =	vunpack.i.u.bf16.f32 v1;
	v4 =	vmul.f32 v63, v0  }
0x1a6: {  	v1 =	vmul.f32 v1, v0  }
0x1a7: {  	v2 =	vadd.f32 v4, v2  }
0x1a8: {  	v1 =	vadd.f32 v3, v1  }
0x1a9: {  	[tilespmem:s28+$0x20] =	vst v2  }
0x1aa: {  	s29 =	simm.s32 $0x40;
	[tilespmem:s28+$0x30] =	vst v1  }
0x1ab: {  	v1 =	vld [tilespmem:s29+$0x6610]  }
0x1ac: {  	s1 =	simm.s32 $0x200  }
.LBB2_9:
0x1ad: {  	p1 =	sne.s32 s1, $0x4F00;
	s28 =	sadd.s32 $0x80, s28  }
0x1ae: {  	v2 =	vld [tilespmem:s28+$0xFFFFFFC0]  }
0x1af: {  	v3 =	vld [tilespmem:s28+$0xFFFFFFD0]  }
0x1b0: {  	v4 =	vunpack.i.l.bf16.f32 v1  }
0x1b1: {  	v1 =	vunpack.i.u.bf16.f32 v1;
	v4 =	vmul.f32 v4, v0  }
0x1b2: {  	v1 =	vmul.f32 v1, v0  }
0x1b3: {  	v2 =	vadd.f32 v4, v2  }
0x1b4: {  	v1 =	vadd.f32 v3, v1  }
0x1b5: {  	[tilespmem:s28+$0xFFFFFFC0] =	vst v2  }
0x1b6: {  	[tilespmem:s28+$0xFFFFFFD0] =	vst v1  }
0x1b7: {  	v1 =	vld [tilespmem:s29+$0x6620];
	_ =	sdelay $0x2  }
0x1b8: {  	v2 =	vld [tilespmem:s28+$0xFFFFFFE0]  }
0x1b9: {  	v3 =	vld [tilespmem:s28+$0xFFFFFFF0]  }
0x1ba: {  	v4 =	vunpack.i.l.bf16.f32 v1  }
0x1bb: {  	v1 =	vunpack.i.u.bf16.f32 v1;
	v4 =	vmul.f32 v4, v0  }
0x1bc: {  	v1 =	vmul.f32 v1, v0  }
0x1bd: {  	v2 =	vadd.f32 v4, v2  }
0x1be: {  	v1 =	vadd.f32 v3, v1  }
0x1bf: {  	[tilespmem:s28+$0xFFFFFFE0] =	vst v2  }
0x1c0: {  	[tilespmem:s28+$0xFFFFFFF0] =	vst v1  }
0x1c1: {  	v1 =	vld [tilespmem:s29+$0x6630];
	_ =	sdelay $0x1  }
0x1c2: {  	v2 =	vld [tilespmem:s28+$0x10]  }
0x1c3: {  	v3 =	vld [tilespmem:s28+$0x0];
	_ =	sdelay $0x1  }
0x1c4: {  	v4 =	vunpack.i.u.bf16.f32 v1;
	v1 =	vunpack.i.l.bf16.f32 v1  }
0x1c5: {  	v1 =	vmul.f32 v1, v0;
	v4 =	vmul.f32 v4, v0;
	_ =	sdelay $0x1  }
0x1c6: {  	v1 =	vadd.f32 v1, v3;
	v2 =	vadd.f32 v2, v4;
	_ =	sdelay $0x1  }
0x1c7: {  	[tilespmem:s28+$0x10] =	vst v2  }
0x1c8: {  	[tilespmem:s28+$0x0] =	vst v1  }
0x1c9: {  	v1 =	vld [tilespmem:s29+$0x6640];
	_ =	sdelay $0x1  }
0x1ca: {  	v2 =	vld [tilespmem:s28+$0x30]  }
0x1cb: {  	v3 =	vld [tilespmem:s28+$0x20];
	_ =	sdelay $0x1  }
0x1cc: {  	v4 =	vunpack.i.u.bf16.f32 v1;
	v1 =	vunpack.i.l.bf16.f32 v1  }
0x1cd: {  	v1 =	vmul.f32 v1, v0;
	v4 =	vmul.f32 v4, v0;
	_ =	sdelay $0x1  }
0x1ce: {  	v1 =	vadd.f32 v1, v3;
	v2 =	vadd.f32 v2, v4  }
.Ltmp7:
0x1cf: {  	(pc) =	sbr.rel @p1 .LBB2_9-.Ltmp7, $4  }
0x1d0: {  	[tilespmem:s28+$0x20] =	vst v1  }
0x1d1: {  	s29 =	sshra.s32 s1, $0x2;
	[tilespmem:s28+$0x30] =	vst v2  }
0x1d2: {  	v1 =	vld [tilespmem:s29+$0x6610]  }
0x1d3: {  	s1 =	sadd.s32 $0x100, s1  }
0x1d4: {  	s1 =	sadd.s32 $0x80, s28  }
0x1d5: {  	v2 =	vld [tilespmem:s1+$0xFFFFFFC0]  }
0x1d6: {  	v3 =	vld [tilespmem:s1+$0xFFFFFFD0]  }
0x1d7: {  	v4 =	vunpack.i.l.bf16.f32 v1  }
0x1d8: {  	v52 =	vunpack.i.u.bf16.f32 v1;
	v4 =	vmul.f32 v4, v0  }
0x1d9: {  	v1 =	vmul.f32 v52, v0  }
0x1da: {  	v2 =	vadd.f32 v4, v2  }
0x1db: {  	v1 =	vadd.f32 v3, v1  }
0x1dc: {  	[tilespmem:s1+$0xFFFFFFC0] =	vst v2  }
0x1dd: {  	[tilespmem:s1+$0xFFFFFFD0] =	vst v1  }
0x1de: {  	v1 =	vld [tilespmem:s29+$0x6620];
	_ =	sdelay $0x2  }
0x1df: {  	v53 =	vld [tilespmem:s1+$0xFFFFFFE0]  }
0x1e0: {  	v54 =	vld [tilespmem:s1+$0xFFFFFFF0]  }
0x1e1: {  	v55 =	vunpack.i.l.bf16.f32 v1  }
0x1e2: {  	v1 =	vunpack.i.u.bf16.f32 v1;
	v4 =	vmul.f32 v55, v0  }
0x1e3: {  	v1 =	vmul.f32 v1, v0  }
0x1e4: {  	v2 =	vadd.f32 v4, v53  }
0x1e5: {  	v1 =	vadd.f32 v54, v1  }
0x1e6: {  	[tilespmem:s1+$0xFFFFFFE0] =	vst v2  }
0x1e7: {  	[tilespmem:s1+$0xFFFFFFF0] =	vst v1  }
0x1e8: {  	v1 =	vld [tilespmem:s29+$0x6630];
	_ =	sdelay $0x2  }
0x1e9: {  	v56 =	vld [tilespmem:s1+$0x10]  }
0x1ea: {  	v57 =	vld [tilespmem:s1+$0x0]  }
0x1eb: {  	v58 =	vunpack.i.u.bf16.f32 v1  }
0x1ec: {  	v1 =	vunpack.i.l.bf16.f32 v1;
	v4 =	vmul.f32 v58, v0  }
0x1ed: {  	v1 =	vmul.f32 v1, v0  }
0x1ee: {  	v2 =	vadd.f32 v56, v4  }
0x1ef: {  	v1 =	vadd.f32 v1, v57  }
0x1f0: {  	[tilespmem:s1+$0x10] =	vst v2  }
0x1f1: {  	[tilespmem:s1+$0x0] =	vst v1  }
0x1f2: {  	v1 =	vld [tilespmem:s29+$0x6640];
	_ =	sdelay $0x2  }
0x1f3: {  	v59 =	vld [tilespmem:s1+$0x20]  }
0x1f4: {  	v60 =	vld [tilespmem:s1+$0x30]  }
0x1f5: {  	s26 =	sadd.s32 @!p0 $0x7, s26;
	v61 =	vunpack.i.l.bf16.f32 v1  }
0x1f6: {  	s28 =	sand.u32 @!p0 $0x1F, s26;
	v1 =	vunpack.i.u.bf16.f32 v1;
	v4 =	vmul.f32 v61, v0  }
0x1f7: {  	s26 =	sshrl.u32 @!p0 s26, $0x5;
	s28 =	smul.u32 @!p0 $0x500, s28;
	v62 =	vmul.f32 v1, v0  }
0x1f8: {  	s26 =	smul.u32 @!p0 $0x140, s26;
	v63 =	vadd.f32 v4, v59  }
0x1f9: {  	v0 =	vadd.f32 v60, v62  }
0x1fa: {  	s28 =	sshrl.u32 @!p0 s28, $0x2;
	s26 =	sshra.s32 @!p0 s26, $0x2;
	[tilespmem:s1+$0x20] =	vst v63  }
0x1fb: {  	[tilespmem:s1+$0x30] =	vst v0;
	s1 =	sadd.s32 @!p0 s26, s28;
	s26 =	simm.s32 @!p0 $0x50;
	s28 =	simm.s32 @!p0 $0x6610  }
0x1fc: {  	[tilespmem:s28], [sflag:$0x4] =	stream.indirect.gather @!p0 [hbm4b:s4+s26], $0x40, s1, s26, $0xb8;
	[tilespmem:$0xA210] =	vst v63  }
0x1fd: {  	p0 =	sne.s32 s25, $0x1C  }
.Ltmp8:
0x1fe: {  	_ = 	snop;
	(pc) =	sbr.rel @p0 .LBB2_14-.Ltmp8, $1  }
0x1ff: {  	_ =	sdelay $0x3  }
0x200: {  	v0 =	vld [tilespmem:$0x2A00];
	s1 =	simm.s32 $0x0  }
0x201: {  	v1 =	vld [tilespmem:s1+$0x7A10]  }
0x202: {  	v2 =	vld [tilespmem:s1+$0x7A20]  }
0x203: {  	v5 =	vld [tilespmem:s1+$0x7A30]  }
0x204: {  	v4 =	vld [tilespmem:s1+$0x7A40]  }
0x205: {  	v3 =	vld [tilespmem:s1+$0x7A50]  }
0x206: {  	v6 =	vmax.f32 v1, $0.0e+00;
	v1 =	vld [tilespmem:s1+$0x7A60]  }
0x207: {  	s25 =	sshrl.u32 s24, $0x3;
	s26 =	simm.s32 $0x200;
	v7 =	vmax.f32 v2, $0.0e+00;
	v2 =	vld [tilespmem:s1+$0x7A70];
	v6 =	vadd.f32 v6, v0  }
.LBB2_12:
0x208: {  	p0 =	sne.s32 s26, $0x9E00;
	v7 =	vadd.f32 v7, v0;
	v5 =	vmax.f32 v5, $0.0e+00;
	v8 =	vld [tilespmem:s1+$0x7A80]  }
0x209: {  	s28 =	sshra.s32 s26, $0x2;
	[tilespmem:s1+$0x7A10] =	vst v6;
	v5 =	vadd.f32 v5, v0;
	v4 =	vmax.f32 v4, $0.0e+00  }
0x20a: {  	v6 =	vld [tilespmem:s28+$0x7A10];
	[tilespmem:s1+$0x7A20] =	vst v7;
	v4 =	vadd.f32 v4, v0;
	v3 =	vmax.f32 v3, $0.0e+00  }
0x20b: {  	v7 =	vld [tilespmem:s28+$0x7A20];
	[tilespmem:s1+$0x7A30] =	vst v5;
	v3 =	vadd.f32 v3, v0;
	v1 =	vmax.f32 v1, $0.0e+00  }
.Ltmp9:
0x20c: {  	v5 =	vld [tilespmem:s28+$0x7A30];
	[tilespmem:s1+$0x7A40] =	vst v4;
	v1 =	vadd.f32 v1, v0;
	v2 =	vmax.f32 v2, $0.0e+00;
	(pc) =	sbr.rel @p0 .LBB2_12-.Ltmp9, $4  }
0x20d: {  	v4 =	vld [tilespmem:s28+$0x7A40];
	[tilespmem:s1+$0x7A50] =	vst v3;
	v2 =	vadd.f32 v2, v0;
	v8 =	vmax.f32 v8, $0.0e+00  }
0x20e: {  	v3 =	vld [tilespmem:s28+$0x7A50];
	[tilespmem:s1+$0x7A60] =	vst v1;
	v8 =	vadd.f32 v8, v0  }
0x20f: {  	v6 =	vmax.f32 v6, $0.0e+00;
	v1 =	vld [tilespmem:s28+$0x7A60];
	[tilespmem:s1+$0x7A70] =	vst v2  }
0x210: {  	s26 =	sadd.s32 $0x200, s26;
	v6 =	vadd.f32 v6, v0;
	v7 =	vmax.f32 v7, $0.0e+00;
	v2 =	vld [tilespmem:s28+$0x7A70];
	[tilespmem:s1+$0x7A80] =	vst v8;
	s1 =	smov.u32 s28  }
0x211: {  	v7 =	vadd.f32 v7, v0;
	v5 =	vmax.f32 v5, $0.0e+00;
	v8 =	vld [tilespmem:s1+$0x7A80]  }
0x212: {  	[tilespmem:s1+$0x7A10] =	vst v6;
	v5 =	vadd.f32 v5, v0;
	v4 =	vmax.f32 v4, $0.0e+00  }
0x213: {  	[tilespmem:s1+$0x7A20] =	vst v7;
	v4 =	vadd.f32 v4, v0;
	v3 =	vmax.f32 v3, $0.0e+00  }
0x214: {  	s25 =	smul.u32 $0x50, s25;
	[tilespmem:s1+$0x7A30] =	vst v5;
	v3 =	vadd.f32 v3, v0;
	v1 =	vmax.f32 v1, $0.0e+00  }
0x215: {  	[tilespmem:s1+$0x7A40] =	vst v4;
	v1 =	vadd.f32 v1, v0;
	v2 =	vmax.f32 v2, $0.0e+00  }
0x216: {  	s25 =	sadd.s32 s6, s25;
	[tilespmem:s1+$0x7A50] =	vst v3;
	v2 =	vadd.f32 v2, v0;
	v62 =	vmax.f32 v8, $0.0e+00  }
0x217: {  	p0 =	sgt.u32 s25, $0x270F;
	[tilespmem:s1+$0x7A60] =	vst v1;
	v63 =	vadd.f32 v62, v0  }
0x218: {  	s25 =	sshll.u32 @!p0 s25, $0x4;
	[tilespmem:s1+$0x7A70] =	vst v2  }
0x219: {  	s26 =	simm.s32 @!p0 $0x7A10;
	[tilespmem:s1+$0x7A80] =	vst v63;
	s1 =	sadd.s32 @!p0 s2, s25;
	s25 =	simm.s32 @!p0 $0x0  }
0x21a: {  	[hbm4b:s1+s25] =	stream.linear.scatter @!p0 [tilespmem:s26], [sflag:$0x5], $0x2800, $0x38;
	[tilespmem:$0xA210] =	vst v63  }
.Ltmp10:
0x21b: {  	_ = 	snop;
	(pc) =	sbr.rel .LBB2_14-.Ltmp10, $4  }
0x21c: {  	s1 =	simm.s32 @!p0 $0x5  }
0x21d: {  	_ =	swait.ge @!p0 [sflag:s1], $0x2800  }
0x21e: {  	[sflag:s1] =	ssyncset.done @!p0 $0x0  }
0x21f: {  	[sflag:s1] =	ssyncadd.s32 @!p0 $0xFFFFD800  }
.LBB2_16:
0x220: {  	_ =	sfence.sel $0x180000  }
0x221: {  	[bflag:$0x0] =	sbarrier.arrive $0xFFFF  }
0x222: {  	_ =	strace $0x90000047  }
0x223: {  	[bflag:$0x2] =	sbarrier.arrive $0xFFFF  }
0x224: {  	p0 =	sne.s32 s0, $0x0;
	s0 =	rddreg [dreg:$0x2]  }
0x225: {  	s0 =	sadd.s32 @!p0 $0x100000, s0  }
0x226: {  	[sflag:s0] =	ssyncadd.tile.s32 @!p0 $0x1;
	_ =	shalt  }
.Lfunc_end2:
_tile_overlayer_lowered:
.L_overlay_start_2:
0x227: {  	(tag) =	ssettag $0x2  }
0x228: {  	s0 =	rddreg [dreg:$0x0];
	s2 =	stileid.u32  }
0x229: {  	s1 =	rddreg [dreg:$0x1];
	p0 =	sne.s32 s2, $0x0  }
0x22a: {  	s3 =	rddreg [dreg:$0x2];
	[bflag:$0x3] =	sbarrier.arrive $0xFFFF;
	s2 =	simm.s32 @!p0 $0x1C05  }
0x22b: {  	[timem:s3], [sflag:s2] =	dma.local @!p0 [hbm:s0], s1  }
0x22c: {  	s0 =	simm.s32 @!p0 $0x5  }
0x22d: {  	_ =	swait.ge @!p0 [sflag:s0], s1  }
0x22e: {  	s1 =	ssub.s32 @!p0 $0x0, s1;
	[sflag:s0] =	ssyncset.done @!p0 $0x0  }
0x22f: {  	[sflag:s0] =	ssyncadd.s32 @!p0 s1  }
0x230: {  	[bflag:$0x3] =	sbarrier.arrive $0xFFFF  }
0x231: {  	_ =	shalt  }

</sc_bundles>
